<compile_context>
chip_gen: v7x
topology: tpu7x:2x2x1
jax: 0.10.2.dev20260603
libtpu: 0.0.44.dev20260713+nightly
codegen_flags: <defaults>
</compile_context>

<pallas_src>
import jax
import jax.numpy as jnp
from jax import lax
from jax.experimental import pallas as pl
from jax.experimental.pallas import tpu as pltpu
from jax.experimental.pallas import tpu_sc as plsc

B = 4096
V = 100000
D = 64
NF = 512
HIST = 20

CB = 4096
N_VBLK = -(-V // CB)

NT = 6
NCHUNK = 4
BC = B // NCHUNK
NPIECE = 2
HH = HIST // NPIECE


def _prep_body(Wo, bo, Wd, bd, Wt0, bt0, Wt1, bt1, Wtw, btw, u_o, v_o, c_o):
    m = jnp.mean(Wo[...], axis=0, keepdims=True)
    md = m[:, 0:512]
    m0 = m[:, 512:640]
    m1 = m[:, 640:768]
    mw = m[:, 768:896]
    u_o[...] = jnp.dot(md, Wd[...], preferred_element_type=jnp.float32)
    vt0 = jnp.dot(m0, Wt0[...], preferred_element_type=jnp.float32)
    vt1 = jnp.dot(m1, Wt1[...], preferred_element_type=jnp.float32)
    vtw = jnp.dot(mw, Wtw[...], preferred_element_type=jnp.float32)
    v_o[...] = jnp.concatenate([vt0, vt1, vtw], axis=0)
    c_o[...] = (jnp.sum(md * bd[...], keepdims=True) +
                jnp.sum(m0 * bt0[...], keepdims=True) +
                jnp.sum(m1 * bt1[...], keepdims=True) +
                jnp.sum(mw * btw[...], keepdims=True) +
                jnp.mean(bo[...], keepdims=True))


def _prep(Wo, bo, Wd, bd, Wt0, bt0, Wt1, bt1, Wtw, btw):
    return pl.pallas_call(
        _prep_body,
        out_shape=[
            jax.ShapeDtypeStruct((1, NF), jnp.float32),
            jax.ShapeDtypeStruct((3, 128), jnp.float32),
            jax.ShapeDtypeStruct((1, 1), jnp.float32),
        ],
    )(Wo, bo, Wd, bd, Wt0, bt0, Wt1, bt1, Wtw, btw)


def _scores_body(t0, t1, t2, t3, t4, t5, v3, out):
    rows = []
    for i, ref in enumerate((t0, t1, t2, t3, t4, t5)):
        vi = v3[i // 2:i // 2 + 1, (i % 2) * 64:(i % 2) * 64 + 64]
        rows.append(lax.dot_general(
            vi, ref[...], (((1,), (0,)), ((), ())),
            preferred_element_type=jnp.float32))
    out[...] = jnp.concatenate(rows, axis=0)


def _scores(tables_t, v3):
    tspec = pl.BlockSpec((D, CB), lambda j: (0, j))
    return pl.pallas_call(
        _scores_body,
        grid=(N_VBLK,),
        in_specs=[tspec] * NT + [pl.BlockSpec((3, 128), lambda j: (0, 0))],
        out_specs=pl.BlockSpec((NT, CB), lambda j: (0, j)),
        out_shape=jax.ShapeDtypeStruct((NT, V), jnp.float32),
    )(*tables_t, v3)


def _pool_body(s_hbm, ids_hbm, w_hbm, out_hbm, s_v, ids_v, w_v, acc_v):
    cid = lax.axis_index("c")
    sid = lax.axis_index("s")
    wid = sid * 2 + cid

    @pl.when(wid < NT * NCHUNK)
    def _():
        t = wid // NCHUNK
        chunk = wid - t * NCHUNK
        base = chunk * BC
        pltpu.sync_copy(s_hbm.at[t], s_v)
        is_w = t >= 4
        wsel = lax.broadcast_in_dim(is_w, (16,), ())

        for hh in range(NPIECE):
            pltpu.sync_copy(ids_hbm.at[t, chunk, hh], ids_v)

            @pl.when(is_w)
            def _load_w():
                pltpu.sync_copy(w_hbm.at[t - 4, chunk, hh], w_v)

            def b_body(b, carry, first=(hh == 0)):
                off = b * 16

                def h_body(h, acc):
                    idx = ids_v[pl.ds(h * BC + off, 16)]
                    vals = plsc.load_gather(s_v, [idx])
                    wv = w_v[pl.ds(h * BC + off, 16)]
                    return acc + jnp.where(wsel, vals * wv, vals)

                acc = lax.fori_loop(0, HH, h_body, jnp.zeros((16,), jnp.float32))
                if first:
                    acc_v[pl.ds(off, 16)] = acc
                else:
                    acc_v[pl.ds(off, 16)] = acc_v[pl.ds(off, 16)] + acc
                return carry

            lax.fori_loop(0, BC // 16, b_body, 0)

        pltpu.sync_copy(acc_v, out_hbm.at[t, pl.ds(base, BC)])


def _pool(s, ids_all, w_all):
    mesh = plsc.VectorSubcoreMesh(core_axis_name="c", subcore_axis_name="s")
    return pl.kernel(
        _pool_body,
        out_type=jax.ShapeDtypeStruct((NT, B), jnp.float32),
        mesh=mesh,
        compiler_params=pltpu.CompilerParams(needs_layout_passes=False),
        scratch_types=[
            pltpu.VMEM((V,), jnp.float32),
            pltpu.VMEM((HH * BC,), jnp.int32),
            pltpu.VMEM((HH * BC,), jnp.float32),
            pltpu.VMEM((BC,), jnp.float32),
        ],
    )(s, ids_all, w_all)


BB = 1024


def _final_body(ff, part, u, c, out):
    dvec = lax.dot_general(u[...], ff[...], (((1,), (1,)), ((), ())),
                           preferred_element_type=jnp.float32)
    sp = jnp.sum(part[...], axis=0, keepdims=True)
    tot = dvec + sp + c[...]
    out[...] = 1.0 / (1.0 + jnp.exp(-tot))


def _final(ff, part, u, c):
    return pl.pallas_call(
        _final_body,
        grid=(B // BB,),
        in_specs=[
            pl.BlockSpec((BB, NF), lambda j: (j, 0)),
            pl.BlockSpec((NT, BB), lambda j: (0, j)),
            pl.BlockSpec((1, NF), lambda j: (0, 0)),
            pl.BlockSpec((1, 1), lambda j: (0, 0)),
        ],
        out_specs=pl.BlockSpec((1, BB), lambda j: (0, j)),
        out_shape=jax.ShapeDtypeStruct((1, B), jnp.float32),
    )(ff, part, u, c)


def kernel(float_features, idlist_features, idscore_features, idscore_weights,
           table_0, table_1, table_2, table_3, table_w0, table_w1,
           Wd, bd, Wt0, bt0, Wt1, bt1, Wtw, btw, Wo, bo):
    u, v3, c = _prep(Wo, bo.reshape(1, -1), Wd, bd.reshape(1, -1),
                     Wt0, bt0.reshape(1, -1), Wt1, bt1.reshape(1, -1),
                     Wtw, btw.reshape(1, -1))
    s = _scores(tuple(jnp.transpose(t) for t in
                      (table_0, table_1, table_2, table_3,
                       table_w0, table_w1)), v3)

    def _slab(x, nt):
        x = jnp.transpose(x, (1, 2, 0))
        x = x.reshape(nt, NPIECE, HH, NCHUNK, BC)
        x = jnp.transpose(x, (0, 3, 1, 2, 4))
        return x.reshape(nt, NCHUNK, NPIECE, HH * BC)

    ids_all = jnp.concatenate(
        [_slab(idlist_features, 4), _slab(idscore_features, 2)], axis=0)
    w_all = _slab(idscore_weights, 2)
    part = _pool(s, ids_all, w_all)
    out = _final(float_features, part, u, c)
    return out.reshape(B)

# --- scband reference (transcript-rebuilt; emitter-appended) ---
"""Pipeline reference for scband-test-tower-collection-model-61564061221088 (READ-ONLY COPY).

The authoritative reference and input builder live on the scoring server;
editing this copy changes nothing except your own understanding.
"""

import jax, jax.numpy as jnp
import numpy as np

B = 4096
V = 100000
D = 64
NF = 512
DENSE_OUT = 512
HIST = 20
OVER_OUT = 256


def setup_inputs(seed: int = 0) -> dict:
    key = jax.random.key(seed)
    ks = jax.random.split(key, 24)
    inp = {}
    inp['float_features'] = jax.random.normal(ks[0], (B, NF), dtype=jnp.float32)
    inp['idlist_features'] = jax.random.randint(ks[1], (B, 4, HIST), 0, V, dtype=jnp.int32)
    inp['idscore_features'] = jax.random.randint(ks[2], (B, 2, HIST), 0, V, dtype=jnp.int32)
    inp['idscore_weights'] = jax.random.uniform(ks[3], (B, 2, HIST), dtype=jnp.float32)
    # embedding tables (4 unweighted grouped into 2 towers of 2 tables each)
    for i in range(4):
        inp[f'table_{i}'] = jax.random.normal(ks[4 + i], (V, D), dtype=jnp.float32) * 0.01
    # 2 weighted tables (1 weighted tower)
    inp['table_w0'] = jax.random.normal(ks[8], (V, D), dtype=jnp.float32) * 0.01
    inp['table_w1'] = jax.random.normal(ks[9], (V, D), dtype=jnp.float32) * 0.01
    # dense linear
    inp['Wd'] = jax.random.normal(ks[10], (DENSE_OUT, NF), dtype=jnp.float32) * (1.0 / np.sqrt(NF))
    inp['bd'] = jnp.zeros((DENSE_OUT,), dtype=jnp.float32)
    # tower interaction linears (each tower concat dim = 2 * D = 128)
    TD = 2 * D
    inp['Wt0'] = jax.random.normal(ks[11], (TD, TD), dtype=jnp.float32) * (1.0 / np.sqrt(TD))
    inp['bt0'] = jnp.zeros((TD,), dtype=jnp.float32)
    inp['Wt1'] = jax.random.normal(ks[12], (TD, TD), dtype=jnp.float32) * (1.0 / np.sqrt(TD))
    inp['bt1'] = jnp.zeros((TD,), dtype=jnp.float32)
    inp['Wtw'] = jax.random.normal(ks[13], (TD, TD), dtype=jnp.float32) * (1.0 / np.sqrt(TD))
    inp['btw'] = jnp.zeros((TD,), dtype=jnp.float32)
    # over linear: in = DENSE_OUT + 3 * TD
    IN_OVER = DENSE_OUT + 3 * TD
    inp['Wo'] = jax.random.normal(ks[14], (OVER_OUT, IN_OVER), dtype=jnp.float32) * (1.0 / np.sqrt(IN_OVER))
    inp['bo'] = jnp.zeros((OVER_OUT,), dtype=jnp.float32)
    return inp


def reference(float_features, idlist_features, idscore_features, idscore_weights,
              table_0, table_1, table_2, table_3, table_w0, table_w1,
              Wd, bd, Wt0, bt0, Wt1, bt1, Wtw, btw, Wo, bo):
    # dense branch
    dense_r = float_features @ Wd.T + bd
    # tower 0: tables 0,1 (EmbeddingBag sum-pooling) + interaction linear
    p0 = jnp.take(table_0, idlist_features[:, 0], axis=0).sum(axis=1)
    p1 = jnp.take(table_1, idlist_features[:, 1], axis=0).sum(axis=1)
    t0 = jnp.concatenate([p0, p1], axis=1) @ Wt0.T + bt0
    # tower 1: tables 2,3
    p2 = jnp.take(table_2, idlist_features[:, 2], axis=0).sum(axis=1)
    p3 = jnp.take(table_3, idlist_features[:, 3], axis=0).sum(axis=1)
    t1 = jnp.concatenate([p2, p3], axis=1) @ Wt1.T + bt1
    # weighted tower: weighted sum pooling
    pw0 = (jnp.take(table_w0, idscore_features[:, 0], axis=0) * idscore_weights[:, 0][..., None]).sum(axis=1)
    pw1 = (jnp.take(table_w1, idscore_features[:, 1], axis=0) * idscore_weights[:, 1][..., None]).sum(axis=1)
    tw = jnp.concatenate([pw0, pw1], axis=1) @ Wtw.T + btw
    # tower collection output
    sparse_r = jnp.concatenate([t0, t1, tw], axis=1)
    over_r = jnp.concatenate([dense_r, sparse_r], axis=1) @ Wo.T + bo
    pred = jax.nn.sigmoid(jnp.mean(over_r, axis=1))
    return pred

if __name__ == "__main__":
    import jax
    _d = setup_inputs()
    print(jax.jit(kernel)(*tuple(_d.values())))

</pallas_src>

<mosaic_0001>
#map = affine_map<(d0, d1) -> (0, 0)>
#map1 = affine_map<(d0, d1) -> (0, 0, 0, 0)>
module attributes {stable_mosaic.version = 14 : i64} {
  func.func @_pool_body(%arg0: i32, %arg1: i32, %arg2: memref<6x100000xf32, #tpu.memory_space<hbm>>, %arg3: memref<6x4x2x10240xi32, #tpu.memory_space<hbm>>, %arg4: memref<2x4x2x10240xf32, #tpu.memory_space<hbm>>, %arg5: memref<6x4096xf32, #tpu.memory_space<hbm>>, %arg6: memref<100000xf32, #tpu.memory_space<vmem>>, %arg7: memref<10240xi32, #tpu.memory_space<vmem>>, %arg8: memref<10240xf32, #tpu.memory_space<vmem>>, %arg9: memref<1024xf32, #tpu.memory_space<vmem>>) attributes {dimension_semantics = [#tpu.dimension_semantics<core_parallel>, #tpu.dimension_semantics<subcore_parallel>], iteration_bounds = array<i64: 2, 16>, scalar_prefetch = 0 : i64, scratch_operands = 4 : i64, tpu.core_type = #tpu.core_type<sc_vector_subcore>, window_params = [{transform_indices = #map}, {transform_indices = #map1}, {transform_indices = #map1}, {transform_indices = #map}]} {
    %mul3A = arith.constant 2 : i32
    %mul3A_0 = arith.muli %arg1, %mul3A : i32
    %add3A = arith.addi %mul3A_0, %arg0 : i32
    %lt3A = arith.constant 24 : i32
    %lt3A_1 = arith.cmpi slt, %add3A, %lt3A : i32
    %convert_element_type3A = arith.extui %lt3A_1 : i1 to i32
    %cond3A = arith.constant 0 : i32
    %cond3A_2 = arith.cmpi ne, %convert_element_type3A, %cond3A : i32
    scf.if %cond3A_2 {
      %jit3A = arith.constant 4 : i32
      %div3A = arith.divsi %add3A, %jit3A : i32
      %sign3A = arith.constant 0 : i32
      %sign3A_3 = arith.cmpi sgt, %add3A, %sign3A : i32
      %sign3A_4 = arith.extui %sign3A_3 : i1 to i32
      %sign3A_5 = arith.constant 0 : i32
      %sign3A_6 = arith.cmpi slt, %add3A, %sign3A_5 : i32
      %sign3A_7 = arith.extui %sign3A_6 : i1 to i32
      %sign3A_8 = arith.subi %sign3A_4, %sign3A_7 : i32
      %sign3A_9 = arith.constant 0 : i32
      %sign3A_10 = arith.cmpi sgt, %jit3A, %sign3A_9 : i32
      %sign3A_11 = arith.extui %sign3A_10 : i1 to i32
      %sign3A_12 = arith.constant 0 : i32
      %sign3A_13 = arith.cmpi slt, %jit3A, %sign3A_12 : i32
      %sign3A_14 = arith.extui %sign3A_13 : i1 to i32
      %sign3A_15 = arith.subi %sign3A_11, %sign3A_14 : i32
      %ne3A = arith.cmpi ne, %sign3A_8, %sign3A_15 : i32
      %rem3A = arith.remsi %add3A, %jit3A : i32
      %ne3A_16 = arith.constant 0 : i32
      %ne3A_17 = arith.cmpi ne, %rem3A, %ne3A_16 : i32
      %and3A = arith.andi %ne3A, %ne3A_17 : i1
      %sub3A = arith.constant 1 : i32
      %sub3A_18 = arith.subi %div3A, %sub3A : i32
      %select_n3A = arith.select %and3A, %sub3A_18, %div3A : i32
      %mul3A_19 = arith.constant 4 : i32
      %mul3A_20 = arith.muli %select_n3A, %mul3A_19 : i32
      %sub3A_21 = arith.subi %add3A, %mul3A_20 : i32
      %mul3A_22 = arith.constant 1024 : i32
      %mul3A_23 = arith.muli %sub3A_21, %mul3A_22 : i32
      "tpu.region"() ({
        %run_scoped3A_43 = tpu.sem_alloc : memref<!tpu.dma_semaphore, #tpu.memory_space<semaphore_mem>>
        %dma_start3A = arith.constant 0 : i32
        %dma_start3A_44 = tpu.memref_slice %arg2[%select_n3A, %dma_start3A] : memref<6x100000xf32, #tpu.memory_space<hbm>> -> memref<1x100000xf32, #tpu.memory_space<hbm>>
        %dma_start3A_45 = tpu.memref_squeeze %dma_start3A_44 : memref<1x100000xf32, #tpu.memory_space<hbm>> -> memref<100000xf32, #tpu.memory_space<hbm>>
        %dma_start3A_46 = arith.constant 0 : i32
        %dma_start3A_47 = tpu.memref_slice %arg2[%select_n3A, %dma_start3A_46] : memref<6x100000xf32, #tpu.memory_space<hbm>> -> memref<1x100000xf32, #tpu.memory_space<hbm>>
        %dma_start3A_48 = tpu.memref_squeeze %dma_start3A_47 : memref<1x100000xf32, #tpu.memory_space<hbm>> -> memref<100000xf32, #tpu.memory_space<hbm>>
        tpu.enqueue_dma source(%dma_start3A_48 : memref<100000xf32, #tpu.memory_space<hbm>>) target(%arg6 : memref<100000xf32, #tpu.memory_space<vmem>>) target_semaphore(%run_scoped3A_43 : memref<!tpu.dma_semaphore, #tpu.memory_space<semaphore_mem>>)
        %dma_wait3A = arith.constant 0 : i32
        %dma_wait3A_49 = tpu.memref_slice %arg2[%select_n3A, %dma_wait3A] : memref<6x100000xf32, #tpu.memory_space<hbm>> -> memref<1x100000xf32, #tpu.memory_space<hbm>>
        %dma_wait3A_50 = tpu.memref_squeeze %dma_wait3A_49 : memref<1x100000xf32, #tpu.memory_space<hbm>> -> memref<100000xf32, #tpu.memory_space<hbm>>
        %dma_wait3A_51 = arith.constant 0 : i32
        %dma_wait3A_52 = tpu.memref_slice %arg2[%select_n3A, %dma_wait3A_51] : memref<6x100000xf32, #tpu.memory_space<hbm>> -> memref<1x100000xf32, #tpu.memory_space<hbm>>
        %dma_wait3A_53 = tpu.memref_squeeze %dma_wait3A_52 : memref<1x100000xf32, #tpu.memory_space<hbm>> -> memref<100000xf32, #tpu.memory_space<hbm>>
        tpu.wait_dma2 semaphore(%run_scoped3A_43 : memref<!tpu.dma_semaphore, #tpu.memory_space<semaphore_mem>>) src(%dma_wait3A_53 : memref<100000xf32, #tpu.memory_space<hbm>>) dst(%arg6 : memref<100000xf32, #tpu.memory_space<vmem>>)
        tpu.yield
      }) : () -> ()
      %ge3A = arith.constant 4 : i32
      %ge3A_24 = arith.cmpi sge, %select_n3A, %ge3A : i32
      %broadcast_in_dim3A = vector.broadcast %ge3A_24 : i1 to vector<16xi1>
      %run_scoped3A = arith.constant 0 : i32
      "tpu.region"() ({
        %run_scoped3A_43 = tpu.sem_alloc : memref<!tpu.dma_semaphore, #tpu.memory_space<semaphore_mem>>
        %dma_start3A = arith.constant 0 : i32
        %dma_start3A_44 = tpu.memref_slice %arg3[%select_n3A, %sub3A_21, %run_scoped3A, %dma_start3A] : memref<6x4x2x10240xi32, #tpu.memory_space<hbm>> -> memref<1x1x1x10240xi32, #tpu.memory_space<hbm>>
        %dma_start3A_45 = tpu.memref_squeeze %dma_start3A_44 : memref<1x1x1x10240xi32, #tpu.memory_space<hbm>> -> memref<10240xi32, #tpu.memory_space<hbm>>
        %dma_start3A_46 = arith.constant 0 : i32
        %dma_start3A_47 = tpu.memref_slice %arg3[%select_n3A, %sub3A_21, %run_scoped3A, %dma_start3A_46] : memref<6x4x2x10240xi32, #tpu.memory_space<hbm>> -> memref<1x1x1x10240xi32, #tpu.memory_space<hbm>>
        %dma_start3A_48 = tpu.memref_squeeze %dma_start3A_47 : memref<1x1x1x10240xi32, #tpu.memory_space<hbm>> -> memref<10240xi32, #tpu.memory_space<hbm>>
        tpu.enqueue_dma source(%dma_start3A_48 : memref<10240xi32, #tpu.memory_space<hbm>>) target(%arg7 : memref<10240xi32, #tpu.memory_space<vmem>>) target_semaphore(%run_scoped3A_43 : memref<!tpu.dma_semaphore, #tpu.memory_space<semaphore_mem>>)
        %dma_wait3A = arith.constant 0 : i32
        %dma_wait3A_49 = tpu.memref_slice %arg3[%select_n3A, %sub3A_21, %run_scoped3A, %dma_wait3A] : memref<6x4x2x10240xi32, #tpu.memory_space<hbm>> -> memref<1x1x1x10240xi32, #tpu.memory_space<hbm>>
        %dma_wait3A_50 = tpu.memref_squeeze %dma_wait3A_49 : memref<1x1x1x10240xi32, #tpu.memory_space<hbm>> -> memref<10240xi32, #tpu.memory_space<hbm>>
        %dma_wait3A_51 = arith.constant 0 : i32
        %dma_wait3A_52 = tpu.memref_slice %arg3[%select_n3A, %sub3A_21, %run_scoped3A, %dma_wait3A_51] : memref<6x4x2x10240xi32, #tpu.memory_space<hbm>> -> memref<1x1x1x10240xi32, #tpu.memory_space<hbm>>
        %dma_wait3A_53 = tpu.memref_squeeze %dma_wait3A_52 : memref<1x1x1x10240xi32, #tpu.memory_space<hbm>> -> memref<10240xi32, #tpu.memory_space<hbm>>
        tpu.wait_dma2 semaphore(%run_scoped3A_43 : memref<!tpu.dma_semaphore, #tpu.memory_space<semaphore_mem>>) src(%dma_wait3A_53 : memref<10240xi32, #tpu.memory_space<hbm>>) dst(%arg7 : memref<10240xi32, #tpu.memory_space<vmem>>)
        tpu.yield
      }) : () -> ()
      %convert_element_type3A_25 = arith.extui %ge3A_24 : i1 to i32
      %cond3A_26 = arith.constant 0 : i32
      %cond3A_27 = arith.cmpi ne, %convert_element_type3A_25, %cond3A_26 : i32
      scf.if %cond3A_27 {
        %sub3A_43 = arith.constant 4 : i32
        %sub3A_44 = arith.subi %select_n3A, %sub3A_43 : i32
        %run_scoped3A_45 = arith.constant 0 : i32
        "tpu.region"() ({
          %run_scoped3A_46 = tpu.sem_alloc : memref<!tpu.dma_semaphore, #tpu.memory_space<semaphore_mem>>
          %dma_start3A = arith.constant 0 : i32
          %dma_start3A_47 = tpu.memref_slice %arg4[%sub3A_44, %sub3A_21, %run_scoped3A_45, %dma_start3A] : memref<2x4x2x10240xf32, #tpu.memory_space<hbm>> -> memref<1x1x1x10240xf32, #tpu.memory_space<hbm>>
          %dma_start3A_48 = tpu.memref_squeeze %dma_start3A_47 : memref<1x1x1x10240xf32, #tpu.memory_space<hbm>> -> memref<10240xf32, #tpu.memory_space<hbm>>
          %dma_start3A_49 = arith.constant 0 : i32
          %dma_start3A_50 = tpu.memref_slice %arg4[%sub3A_44, %sub3A_21, %run_scoped3A_45, %dma_start3A_49] : memref<2x4x2x10240xf32, #tpu.memory_space<hbm>> -> memref<1x1x1x10240xf32, #tpu.memory_space<hbm>>
          %dma_start3A_51 = tpu.memref_squeeze %dma_start3A_50 : memref<1x1x1x10240xf32, #tpu.memory_space<hbm>> -> memref<10240xf32, #tpu.memory_space<hbm>>
          tpu.enqueue_dma source(%dma_start3A_51 : memref<10240xf32, #tpu.memory_space<hbm>>) target(%arg8 : memref<10240xf32, #tpu.memory_space<vmem>>) target_semaphore(%run_scoped3A_46 : memref<!tpu.dma_semaphore, #tpu.memory_space<semaphore_mem>>)
          %dma_wait3A = arith.constant 0 : i32
          %dma_wait3A_52 = tpu.memref_slice %arg4[%sub3A_44, %sub3A_21, %run_scoped3A_45, %dma_wait3A] : memref<2x4x2x10240xf32, #tpu.memory_space<hbm>> -> memref<1x1x1x10240xf32, #tpu.memory_space<hbm>>
          %dma_wait3A_53 = tpu.memref_squeeze %dma_wait3A_52 : memref<1x1x1x10240xf32, #tpu.memory_space<hbm>> -> memref<10240xf32, #tpu.memory_space<hbm>>
          %dma_wait3A_54 = arith.constant 0 : i32
          %dma_wait3A_55 = tpu.memref_slice %arg4[%sub3A_44, %sub3A_21, %run_scoped3A_45, %dma_wait3A_54] : memref<2x4x2x10240xf32, #tpu.memory_space<hbm>> -> memref<1x1x1x10240xf32, #tpu.memory_space<hbm>>
          %dma_wait3A_56 = tpu.memref_squeeze %dma_wait3A_55 : memref<1x1x1x10240xf32, #tpu.memory_space<hbm>> -> memref<10240xf32, #tpu.memory_space<hbm>>
          tpu.wait_dma2 semaphore(%run_scoped3A_46 : memref<!tpu.dma_semaphore, #tpu.memory_space<semaphore_mem>>) src(%dma_wait3A_56 : memref<10240xf32, #tpu.memory_space<hbm>>) dst(%arg8 : memref<10240xf32, #tpu.memory_space<vmem>>)
          tpu.yield
        }) : () -> ()
      } else {
      }
      %scan3A = arith.constant 0 : i32
      %scan3A_28 = arith.constant 0 : i32
      %scan3A_29 = arith.constant 64 : i32
      %scan3A_30 = arith.addi %scan3A_28, %scan3A_29 : i32
      %scan3A_31 = arith.constant 1 : i32
      scf.for %scan3A_43 = %scan3A_28 to %scan3A_30 step %scan3A_31  : i32 {
        %mul3A_44 = arith.constant 16 : i32
        %mul3A_45 = arith.muli %scan3A_43, %mul3A_44 : i32
        %broadcast_in_dim3A_46 = arith.constant 0.000000e+00 : f32
        %broadcast_in_dim3A_47 = vector.broadcast %broadcast_in_dim3A_46 : f32 to vector<16xf32>
        %scan3A_48 = arith.constant 0 : i32
        %scan3A_49 = arith.constant 10 : i32
        %scan3A_50 = arith.addi %scan3A_48, %scan3A_49 : i32
        %scan3A_51 = arith.constant 1 : i32
        %scan3A_52 = scf.for %scan3A_55 = %scan3A_48 to %scan3A_50 step %scan3A_51 iter_args(%scan3A_56 = %broadcast_in_dim3A_47) -> (vector<16xf32>)  : i32 {
          %mul3A_57 = arith.constant 1024 : i32
          %mul3A_58 = arith.muli %scan3A_55, %mul3A_57 : i32
          %add3A_59 = arith.addi %mul3A_58, %mul3A_45 : i32
          %get3A = arith.index_cast %add3A_59 : i32 to index
          %get3A_60 = tpu.vector_load %arg7[%get3A] {strides = array<i32>} : memref<10240xi32, #tpu.memory_space<vmem>>, vector<16xi32>,
          %gather3A = tpu.vector_load_idx %arg6[%get3A_60] : memref<100000xf32, #tpu.memory_space<vmem>>[vector<16xi32>], vector<16xf32>,
          %mul3A_61 = arith.constant 1024 : i32
          %mul3A_62 = arith.muli %scan3A_55, %mul3A_61 : i32
          %add3A_63 = arith.addi %mul3A_62, %mul3A_45 : i32
          %get3A_64 = arith.index_cast %add3A_63 : i32 to index
          %get3A_65 = tpu.vector_load %arg8[%get3A_64] {strides = array<i32>} : memref<10240xf32, #tpu.memory_space<vmem>>, vector<16xf32>,
          %mul3A_66 = arith.mulf %gather3A, %get3A_65 : vector<16xf32>
          %select_n3A_67 = arith.select %broadcast_in_dim3A, %mul3A_66, %gather3A : vector<16xi1>, vector<16xf32>
          %add3A_68 = arith.addf %scan3A_56, %select_n3A_67 : vector<16xf32>
          scf.yield %add3A_68 : vector<16xf32>
        }
        %scan3A_53 = arith.constant 10 : i32
        %swap3A = arith.index_cast %mul3A_45 : i32 to index
        %swap3A_54 = tpu.vector_load %arg9[%swap3A] {strides = array<i32>} : memref<1024xf32, #tpu.memory_space<vmem>>, vector<16xf32>,
        tpu.vector_store %arg9[%swap3A], %scan3A_52 {strides = array<i32>} : memref<1024xf32, #tpu.memory_space<vmem>>, vector<16xf32>,
      }
      %scan3A_32 = arith.constant 64 : i32
      %run_scoped3A_33 = arith.constant 1 : i32
      "tpu.region"() ({
        %run_scoped3A_43 = tpu.sem_alloc : memref<!tpu.dma_semaphore, #tpu.memory_space<semaphore_mem>>
        %dma_start3A = arith.constant 0 : i32
        %dma_start3A_44 = tpu.memref_slice %arg3[%select_n3A, %sub3A_21, %run_scoped3A_33, %dma_start3A] : memref<6x4x2x10240xi32, #tpu.memory_space<hbm>> -> memref<1x1x1x10240xi32, #tpu.memory_space<hbm>>
        %dma_start3A_45 = tpu.memref_squeeze %dma_start3A_44 : memref<1x1x1x10240xi32, #tpu.memory_space<hbm>> -> memref<10240xi32, #tpu.memory_space<hbm>>
        %dma_start3A_46 = arith.constant 0 : i32
        %dma_start3A_47 = tpu.memref_slice %arg3[%select_n3A, %sub3A_21, %run_scoped3A_33, %dma_start3A_46] : memref<6x4x2x10240xi32, #tpu.memory_space<hbm>> -> memref<1x1x1x10240xi32, #tpu.memory_space<hbm>>
        %dma_start3A_48 = tpu.memref_squeeze %dma_start3A_47 : memref<1x1x1x10240xi32, #tpu.memory_space<hbm>> -> memref<10240xi32, #tpu.memory_space<hbm>>
        tpu.enqueue_dma source(%dma_start3A_48 : memref<10240xi32, #tpu.memory_space<hbm>>) target(%arg7 : memref<10240xi32, #tpu.memory_space<vmem>>) target_semaphore(%run_scoped3A_43 : memref<!tpu.dma_semaphore, #tpu.memory_space<semaphore_mem>>)
        %dma_wait3A = arith.constant 0 : i32
        %dma_wait3A_49 = tpu.memref_slice %arg3[%select_n3A, %sub3A_21, %run_scoped3A_33, %dma_wait3A] : memref<6x4x2x10240xi32, #tpu.memory_space<hbm>> -> memref<1x1x1x10240xi32, #tpu.memory_space<hbm>>
        %dma_wait3A_50 = tpu.memref_squeeze %dma_wait3A_49 : memref<1x1x1x10240xi32, #tpu.memory_space<hbm>> -> memref<10240xi32, #tpu.memory_space<hbm>>
        %dma_wait3A_51 = arith.constant 0 : i32
        %dma_wait3A_52 = tpu.memref_slice %arg3[%select_n3A, %sub3A_21, %run_scoped3A_33, %dma_wait3A_51] : memref<6x4x2x10240xi32, #tpu.memory_space<hbm>> -> memref<1x1x1x10240xi32, #tpu.memory_space<hbm>>
        %dma_wait3A_53 = tpu.memref_squeeze %dma_wait3A_52 : memref<1x1x1x10240xi32, #tpu.memory_space<hbm>> -> memref<10240xi32, #tpu.memory_space<hbm>>
        tpu.wait_dma2 semaphore(%run_scoped3A_43 : memref<!tpu.dma_semaphore, #tpu.memory_space<semaphore_mem>>) src(%dma_wait3A_53 : memref<10240xi32, #tpu.memory_space<hbm>>) dst(%arg7 : memref<10240xi32, #tpu.memory_space<vmem>>)
        tpu.yield
      }) : () -> ()
      %convert_element_type3A_34 = arith.extui %ge3A_24 : i1 to i32
      %cond3A_35 = arith.constant 0 : i32
      %cond3A_36 = arith.cmpi ne, %convert_element_type3A_34, %cond3A_35 : i32
      scf.if %cond3A_36 {
        %sub3A_43 = arith.constant 4 : i32
        %sub3A_44 = arith.subi %select_n3A, %sub3A_43 : i32
        %run_scoped3A_45 = arith.constant 1 : i32
        "tpu.region"() ({
          %run_scoped3A_46 = tpu.sem_alloc : memref<!tpu.dma_semaphore, #tpu.memory_space<semaphore_mem>>
          %dma_start3A = arith.constant 0 : i32
          %dma_start3A_47 = tpu.memref_slice %arg4[%sub3A_44, %sub3A_21, %run_scoped3A_45, %dma_start3A] : memref<2x4x2x10240xf32, #tpu.memory_space<hbm>> -> memref<1x1x1x10240xf32, #tpu.memory_space<hbm>>
          %dma_start3A_48 = tpu.memref_squeeze %dma_start3A_47 : memref<1x1x1x10240xf32, #tpu.memory_space<hbm>> -> memref<10240xf32, #tpu.memory_space<hbm>>
          %dma_start3A_49 = arith.constant 0 : i32
          %dma_start3A_50 = tpu.memref_slice %arg4[%sub3A_44, %sub3A_21, %run_scoped3A_45, %dma_start3A_49] : memref<2x4x2x10240xf32, #tpu.memory_space<hbm>> -> memref<1x1x1x10240xf32, #tpu.memory_space<hbm>>
          %dma_start3A_51 = tpu.memref_squeeze %dma_start3A_50 : memref<1x1x1x10240xf32, #tpu.memory_space<hbm>> -> memref<10240xf32, #tpu.memory_space<hbm>>
          tpu.enqueue_dma source(%dma_start3A_51 : memref<10240xf32, #tpu.memory_space<hbm>>) target(%arg8 : memref<10240xf32, #tpu.memory_space<vmem>>) target_semaphore(%run_scoped3A_46 : memref<!tpu.dma_semaphore, #tpu.memory_space<semaphore_mem>>)
          %dma_wait3A = arith.constant 0 : i32
          %dma_wait3A_52 = tpu.memref_slice %arg4[%sub3A_44, %sub3A_21, %run_scoped3A_45, %dma_wait3A] : memref<2x4x2x10240xf32, #tpu.memory_space<hbm>> -> memref<1x1x1x10240xf32, #tpu.memory_space<hbm>>
          %dma_wait3A_53 = tpu.memref_squeeze %dma_wait3A_52 : memref<1x1x1x10240xf32, #tpu.memory_space<hbm>> -> memref<10240xf32, #tpu.memory_space<hbm>>
          %dma_wait3A_54 = arith.constant 0 : i32
          %dma_wait3A_55 = tpu.memref_slice %arg4[%sub3A_44, %sub3A_21, %run_scoped3A_45, %dma_wait3A_54] : memref<2x4x2x10240xf32, #tpu.memory_space<hbm>> -> memref<1x1x1x10240xf32, #tpu.memory_space<hbm>>
          %dma_wait3A_56 = tpu.memref_squeeze %dma_wait3A_55 : memref<1x1x1x10240xf32, #tpu.memory_space<hbm>> -> memref<10240xf32, #tpu.memory_space<hbm>>
          tpu.wait_dma2 semaphore(%run_scoped3A_46 : memref<!tpu.dma_semaphore, #tpu.memory_space<semaphore_mem>>) src(%dma_wait3A_56 : memref<10240xf32, #tpu.memory_space<hbm>>) dst(%arg8 : memref<10240xf32, #tpu.memory_space<vmem>>)
          tpu.yield
        }) : () -> ()
      } else {
      }
      %scan3A_37 = arith.constant 0 : i32
      %scan3A_38 = arith.constant 0 : i32
      %scan3A_39 = arith.constant 64 : i32
      %scan3A_40 = arith.addi %scan3A_38, %scan3A_39 : i32
      %scan3A_41 = arith.constant 1 : i32
      scf.for %scan3A_43 = %scan3A_38 to %scan3A_40 step %scan3A_41  : i32 {
        %mul3A_44 = arith.constant 16 : i32
        %mul3A_45 = arith.muli %scan3A_43, %mul3A_44 : i32
        %broadcast_in_dim3A_46 = arith.constant 0.000000e+00 : f32
        %broadcast_in_dim3A_47 = vector.broadcast %broadcast_in_dim3A_46 : f32 to vector<16xf32>
        %scan3A_48 = arith.constant 0 : i32
        %scan3A_49 = arith.constant 10 : i32
        %scan3A_50 = arith.addi %scan3A_48, %scan3A_49 : i32
        %scan3A_51 = arith.constant 1 : i32
        %scan3A_52 = scf.for %scan3A_57 = %scan3A_48 to %scan3A_50 step %scan3A_51 iter_args(%scan3A_58 = %broadcast_in_dim3A_47) -> (vector<16xf32>)  : i32 {
          %mul3A_59 = arith.constant 1024 : i32
          %mul3A_60 = arith.muli %scan3A_57, %mul3A_59 : i32
          %add3A_61 = arith.addi %mul3A_60, %mul3A_45 : i32
          %get3A_62 = arith.index_cast %add3A_61 : i32 to index
          %get3A_63 = tpu.vector_load %arg7[%get3A_62] {strides = array<i32>} : memref<10240xi32, #tpu.memory_space<vmem>>, vector<16xi32>,
          %gather3A = tpu.vector_load_idx %arg6[%get3A_63] : memref<100000xf32, #tpu.memory_space<vmem>>[vector<16xi32>], vector<16xf32>,
          %mul3A_64 = arith.constant 1024 : i32
          %mul3A_65 = arith.muli %scan3A_57, %mul3A_64 : i32
          %add3A_66 = arith.addi %mul3A_65, %mul3A_45 : i32
          %get3A_67 = arith.index_cast %add3A_66 : i32 to index
          %get3A_68 = tpu.vector_load %arg8[%get3A_67] {strides = array<i32>} : memref<10240xf32, #tpu.memory_space<vmem>>, vector<16xf32>,
          %mul3A_69 = arith.mulf %gather3A, %get3A_68 : vector<16xf32>
          %select_n3A_70 = arith.select %broadcast_in_dim3A, %mul3A_69, %gather3A : vector<16xi1>, vector<16xf32>
          %add3A_71 = arith.addf %scan3A_58, %select_n3A_70 : vector<16xf32>
          scf.yield %add3A_71 : vector<16xf32>
        }
        %scan3A_53 = arith.constant 10 : i32
        %get3A = arith.index_cast %mul3A_45 : i32 to index
        %get3A_54 = tpu.vector_load %arg9[%get3A] {strides = array<i32>} : memref<1024xf32, #tpu.memory_space<vmem>>, vector<16xf32>,
        %add3A_55 = arith.addf %get3A_54, %scan3A_52 : vector<16xf32>
        %swap3A = arith.index_cast %mul3A_45 : i32 to index
        %swap3A_56 = tpu.vector_load %arg9[%swap3A] {strides = array<i32>} : memref<1024xf32, #tpu.memory_space<vmem>>, vector<16xf32>,
        tpu.vector_store %arg9[%swap3A], %add3A_55 {strides = array<i32>} : memref<1024xf32, #tpu.memory_space<vmem>>, vector<16xf32>,
      }
      %scan3A_42 = arith.constant 64 : i32
      "tpu.region"() ({
        %run_scoped3A_43 = tpu.sem_alloc : memref<!tpu.dma_semaphore, #tpu.memory_space<semaphore_mem>>
        %dma_start3A = tpu.memref_slice %arg5[%select_n3A, %mul3A_23] : memref<6x4096xf32, #tpu.memory_space<hbm>> -> memref<1x1024xf32, #tpu.memory_space<hbm>>
        %dma_start3A_44 = tpu.memref_squeeze %dma_start3A : memref<1x1024xf32, #tpu.memory_space<hbm>> -> memref<1024xf32, #tpu.memory_space<hbm>>
        %dma_start3A_45 = tpu.memref_slice %arg5[%select_n3A, %mul3A_23] : memref<6x4096xf32, #tpu.memory_space<hbm>> -> memref<1x1024xf32, #tpu.memory_space<hbm>>
        %dma_start3A_46 = tpu.memref_squeeze %dma_start3A_45 : memref<1x1024xf32, #tpu.memory_space<hbm>> -> memref<1024xf32, #tpu.memory_space<hbm>>
        tpu.enqueue_dma source(%arg9 : memref<1024xf32, #tpu.memory_space<vmem>>) target(%dma_start3A_46 : memref<1024xf32, #tpu.memory_space<hbm>>) target_semaphore(%run_scoped3A_43 : memref<!tpu.dma_semaphore, #tpu.memory_space<semaphore_mem>>)
        %dma_wait3A = tpu.memref_slice %arg5[%select_n3A, %mul3A_23] : memref<6x4096xf32, #tpu.memory_space<hbm>> -> memref<1x1024xf32, #tpu.memory_space<hbm>>
        %dma_wait3A_47 = tpu.memref_squeeze %dma_wait3A : memref<1x1024xf32, #tpu.memory_space<hbm>> -> memref<1024xf32, #tpu.memory_space<hbm>>
        %dma_wait3A_48 = tpu.memref_slice %arg5[%select_n3A, %mul3A_23] : memref<6x4096xf32, #tpu.memory_space<hbm>> -> memref<1x1024xf32, #tpu.memory_space<hbm>>
        %dma_wait3A_49 = tpu.memref_squeeze %dma_wait3A_48 : memref<1x1024xf32, #tpu.memory_space<hbm>> -> memref<1024xf32, #tpu.memory_space<hbm>>
        tpu.wait_dma2 semaphore(%run_scoped3A_43 : memref<!tpu.dma_semaphore, #tpu.memory_space<semaphore_mem>>) src(%arg9 : memref<1024xf32, #tpu.memory_space<vmem>>) dst(%dma_wait3A_49 : memref<1024xf32, #tpu.memory_space<hbm>>)
        tpu.yield
      }) : () -> ()
    } else {
    }
    return
  }
}

module attributes {stable_mosaic.version = 14 : i64} {
  func.func @_prep_body(%arg0: memref<256x896xf32, #tpu.memory_space<vmem>>, %arg1: memref<1x256xf32, #tpu.memory_space<vmem>>, %arg2: memref<512x512xf32, #tpu.memory_space<vmem>>, %arg3: memref<1x512xf32, #tpu.memory_space<vmem>>, %arg4: memref<128x128xf32, #tpu.memory_space<vmem>>, %arg5: memref<1x128xf32, #tpu.memory_space<vmem>>, %arg6: memref<128x128xf32, #tpu.memory_space<vmem>>, %arg7: memref<1x128xf32, #tpu.memory_space<vmem>>, %arg8: memref<128x128xf32, #tpu.memory_space<vmem>>, %arg9: memref<1x128xf32, #tpu.memory_space<vmem>>, %arg10: memref<1x512xf32, #tpu.memory_space<vmem>>, %arg11: memref<3x128xf32, #tpu.memory_space<vmem>>, %arg12: memref<1x1xf32, #tpu.memory_space<vmem>>) attributes {dimension_semantics = [], scalar_prefetch = 0 : i64, scratch_operands = 0 : i64, tpu.core_type = #tpu.core_type<tc>} {
    %get3A = arith.constant 0 : index
    %get3A_0 = arith.constant 0 : index
    %get3A_1 = vector.load %arg0[%get3A, %get3A_0] : memref<256x896xf32, #tpu.memory_space<vmem>>, vector<256x896xf32>
    %reduce_sum3A = arith.constant dense<0.000000e+00> : vector<896xf32>
    %reduce_sum3A_2 = vector.multi_reduction <add>, %get3A_1, %reduce_sum3A [0] : vector<256x896xf32> to vector<896xf32>
    %broadcast_in_dim3A = vector.shape_cast %reduce_sum3A_2 : vector<896xf32> to vector<1x896xf32>
    %div3A = arith.constant 2.560000e+02 : f32
    %div3A_3 = vector.broadcast %div3A : f32 to vector<1x896xf32>
    %div3A_4 = arith.divf %broadcast_in_dim3A, %div3A_3 : vector<1x896xf32>
    %slice3A = vector.extract_strided_slice %div3A_4 {offsets = [0, 0], sizes = [1, 512], strides = [1, 1]} : vector<1x896xf32> to vector<1x512xf32>
    %slice3A_5 = vector.extract_strided_slice %div3A_4 {offsets = [0, 512], sizes = [1, 128], strides = [1, 1]} : vector<1x896xf32> to vector<1x128xf32>
    %slice3A_6 = vector.extract_strided_slice %div3A_4 {offsets = [0, 640], sizes = [1, 128], strides = [1, 1]} : vector<1x896xf32> to vector<1x128xf32>
    %slice3A_7 = vector.extract_strided_slice %div3A_4 {offsets = [0, 768], sizes = [1, 128], strides = [1, 1]} : vector<1x896xf32> to vector<1x128xf32>
    %get3A_8 = arith.constant 0 : index
    %get3A_9 = arith.constant 0 : index
    %get3A_10 = vector.load %arg2[%get3A_8, %get3A_9] : memref<512x512xf32, #tpu.memory_space<vmem>>, vector<512x512xf32>
    %dot_general3A = arith.constant dense<0.000000e+00> : vector<1x512xf32>
    %dot_general3A_11 = tpu.matmul %slice3A, %get3A_10, %dot_general3A {dimension_numbers = #tpu.dot_dimension_numbers<[1], [0], [0], [1], [0, 0, 1, 1], [], []>, transpose_lhs_hint = false} : vector<1x512xf32>, vector<512x512xf32>, vector<1x512xf32> -> vector<1x512xf32>
    %swap3A = arith.constant 0 : index
    %swap3A_12 = arith.constant 0 : index
    %swap3A_13 = vector.load %arg10[%swap3A, %swap3A_12] : memref<1x512xf32, #tpu.memory_space<vmem>>, vector<1x512xf32>
    tpu.vector_store %arg10[%swap3A, %swap3A_12], %dot_general3A_11 {strides = array<i32>} : memref<1x512xf32, #tpu.memory_space<vmem>>, vector<1x512xf32>,
    %get3A_14 = arith.constant 0 : index
    %get3A_15 = arith.constant 0 : index
    %get3A_16 = vector.load %arg4[%get3A_14, %get3A_15] : memref<128x128xf32, #tpu.memory_space<vmem>>, vector<128x128xf32>
    %dot_general3A_17 = arith.constant dense<0.000000e+00> : vector<1x128xf32>
    %dot_general3A_18 = tpu.matmul %slice3A_5, %get3A_16, %dot_general3A_17 {dimension_numbers = #tpu.dot_dimension_numbers<[1], [0], [0], [1], [0, 0, 1, 1], [], []>, transpose_lhs_hint = false} : vector<1x128xf32>, vector<128x128xf32>, vector<1x128xf32> -> vector<1x128xf32>
    %get3A_19 = arith.constant 0 : index
    %get3A_20 = arith.constant 0 : index
    %get3A_21 = vector.load %arg6[%get3A_19, %get3A_20] : memref<128x128xf32, #tpu.memory_space<vmem>>, vector<128x128xf32>
    %dot_general3A_22 = arith.constant dense<0.000000e+00> : vector<1x128xf32>
    %dot_general3A_23 = tpu.matmul %slice3A_6, %get3A_21, %dot_general3A_22 {dimension_numbers = #tpu.dot_dimension_numbers<[1], [0], [0], [1], [0, 0, 1, 1], [], []>, transpose_lhs_hint = false} : vector<1x128xf32>, vector<128x128xf32>, vector<1x128xf32> -> vector<1x128xf32>
    %get3A_24 = arith.constant 0 : index
    %get3A_25 = arith.constant 0 : index
    %get3A_26 = vector.load %arg8[%get3A_24, %get3A_25] : memref<128x128xf32, #tpu.memory_space<vmem>>, vector<128x128xf32>
    %dot_general3A_27 = arith.constant dense<0.000000e+00> : vector<1x128xf32>
    %dot_general3A_28 = tpu.matmul %slice3A_7, %get3A_26, %dot_general3A_27 {dimension_numbers = #tpu.dot_dimension_numbers<[1], [0], [0], [1], [0, 0, 1, 1], [], []>, transpose_lhs_hint = false} : vector<1x128xf32>, vector<128x128xf32>, vector<1x128xf32> -> vector<1x128xf32>
    %concatenate3A = tpu.concatenate %dot_general3A_18, %dot_general3A_23, %dot_general3A_28 in 0 : vector<1x128xf32>, vector<1x128xf32>, vector<1x128xf32> -> vector<3x128xf32>
    %swap3A_29 = arith.constant 0 : index
    %swap3A_30 = arith.constant 0 : index
    %swap3A_31 = vector.load %arg11[%swap3A_29, %swap3A_30] : memref<3x128xf32, #tpu.memory_space<vmem>>, vector<3x128xf32>
    tpu.vector_store %arg11[%swap3A_29, %swap3A_30], %concatenate3A {strides = array<i32>} : memref<3x128xf32, #tpu.memory_space<vmem>>, vector<3x128xf32>,
    %get3A_32 = arith.constant 0 : index
    %get3A_33 = arith.constant 0 : index
    %get3A_34 = vector.load %arg3[%get3A_32, %get3A_33] : memref<1x512xf32, #tpu.memory_space<vmem>>, vector<1x512xf32>
    %mul3A = arith.mulf %slice3A, %get3A_34 : vector<1x512xf32>
    %reduce_sum3A_35 = vector.shape_cast %mul3A : vector<1x512xf32> to vector<1x1x512xf32>
    %reduce_sum3A_36 = arith.constant dense<0.000000e+00> : vector<1xf32>
    %reduce_sum3A_37 = vector.multi_reduction <add>, %reduce_sum3A_35, %reduce_sum3A_36 [1, 2] : vector<1x1x512xf32> to vector<1xf32>
    %reduce_sum3A_38 = vector.shape_cast %reduce_sum3A_37 : vector<1xf32> to vector<1x1x1xf32>
    %reduce_sum3A_39 = vector.extract %reduce_sum3A_38[0, 0, 0] : f32 from vector<1x1x1xf32>
    %broadcast_in_dim3A_40 = vector.broadcast %reduce_sum3A_39 : f32 to vector<1x1xf32>
    %get3A_41 = arith.constant 0 : index
    %get3A_42 = arith.constant 0 : index
    %get3A_43 = vector.load %arg5[%get3A_41, %get3A_42] : memref<1x128xf32, #tpu.memory_space<vmem>>, vector<1x128xf32>
    %mul3A_44 = arith.mulf %slice3A_5, %get3A_43 : vector<1x128xf32>
    %reduce_sum3A_45 = vector.shape_cast %mul3A_44 : vector<1x128xf32> to vector<1x1x128xf32>
    %reduce_sum3A_46 = arith.constant dense<0.000000e+00> : vector<1xf32>
    %reduce_sum3A_47 = vector.multi_reduction <add>, %reduce_sum3A_45, %reduce_sum3A_46 [1, 2] : vector<1x1x128xf32> to vector<1xf32>
    %reduce_sum3A_48 = vector.shape_cast %reduce_sum3A_47 : vector<1xf32> to vector<1x1x1xf32>
    %reduce_sum3A_49 = vector.extract %reduce_sum3A_48[0, 0, 0] : f32 from vector<1x1x1xf32>
    %broadcast_in_dim3A_50 = vector.broadcast %reduce_sum3A_49 : f32 to vector<1x1xf32>
    %add3A = arith.addf %broadcast_in_dim3A_40, %broadcast_in_dim3A_50 : vector<1x1xf32>
    %get3A_51 = arith.constant 0 : index
    %get3A_52 = arith.constant 0 : index
    %get3A_53 = vector.load %arg7[%get3A_51, %get3A_52] : memref<1x128xf32, #tpu.memory_space<vmem>>, vector<1x128xf32>
    %mul3A_54 = arith.mulf %slice3A_6, %get3A_53 : vector<1x128xf32>
    %reduce_sum3A_55 = vector.shape_cast %mul3A_54 : vector<1x128xf32> to vector<1x1x128xf32>
    %reduce_sum3A_56 = arith.constant dense<0.000000e+00> : vector<1xf32>
    %reduce_sum3A_57 = vector.multi_reduction <add>, %reduce_sum3A_55, %reduce_sum3A_56 [1, 2] : vector<1x1x128xf32> to vector<1xf32>
    %reduce_sum3A_58 = vector.shape_cast %reduce_sum3A_57 : vector<1xf32> to vector<1x1x1xf32>
    %reduce_sum3A_59 = vector.extract %reduce_sum3A_58[0, 0, 0] : f32 from vector<1x1x1xf32>
    %broadcast_in_dim3A_60 = vector.broadcast %reduce_sum3A_59 : f32 to vector<1x1xf32>
    %add3A_61 = arith.addf %add3A, %broadcast_in_dim3A_60 : vector<1x1xf32>
    %get3A_62 = arith.constant 0 : index
    %get3A_63 = arith.constant 0 : index
    %get3A_64 = vector.load %arg9[%get3A_62, %get3A_63] : memref<1x128xf32, #tpu.memory_space<vmem>>, vector<1x128xf32>
    %mul3A_65 = arith.mulf %slice3A_7, %get3A_64 : vector<1x128xf32>
    %reduce_sum3A_66 = vector.shape_cast %mul3A_65 : vector<1x128xf32> to vector<1x1x128xf32>
    %reduce_sum3A_67 = arith.constant dense<0.000000e+00> : vector<1xf32>
    %reduce_sum3A_68 = vector.multi_reduction <add>, %reduce_sum3A_66, %reduce_sum3A_67 [1, 2] : vector<1x1x128xf32> to vector<1xf32>
    %reduce_sum3A_69 = vector.shape_cast %reduce_sum3A_68 : vector<1xf32> to vector<1x1x1xf32>
    %reduce_sum3A_70 = vector.extract %reduce_sum3A_69[0, 0, 0] : f32 from vector<1x1x1xf32>
    %broadcast_in_dim3A_71 = vector.broadcast %reduce_sum3A_70 : f32 to vector<1x1xf32>
    %add3A_72 = arith.addf %add3A_61, %broadcast_in_dim3A_71 : vector<1x1xf32>
    %get3A_73 = arith.constant 0 : index
    %get3A_74 = arith.constant 0 : index
    %get3A_75 = vector.load %arg1[%get3A_73, %get3A_74] : memref<1x256xf32, #tpu.memory_space<vmem>>, vector<1x256xf32>
    %reduce_sum3A_76 = vector.shape_cast %get3A_75 : vector<1x256xf32> to vector<1x1x256xf32>
    %reduce_sum3A_77 = arith.constant dense<0.000000e+00> : vector<1xf32>
    %reduce_sum3A_78 = vector.multi_reduction <add>, %reduce_sum3A_76, %reduce_sum3A_77 [1, 2] : vector<1x1x256xf32> to vector<1xf32>
    %reduce_sum3A_79 = vector.shape_cast %reduce_sum3A_78 : vector<1xf32> to vector<1x1x1xf32>
    %reduce_sum3A_80 = vector.extract %reduce_sum3A_79[0, 0, 0] : f32 from vector<1x1x1xf32>
    %broadcast_in_dim3A_81 = vector.broadcast %reduce_sum3A_80 : f32 to vector<1x1xf32>
    %div3A_82 = arith.constant 2.560000e+02 : f32
    %div3A_83 = vector.broadcast %div3A_82 : f32 to vector<1x1xf32>
    %div3A_84 = arith.divf %broadcast_in_dim3A_81, %div3A_83 : vector<1x1xf32>
    %add3A_85 = arith.addf %add3A_72, %div3A_84 : vector<1x1xf32>
    %swap3A_86 = arith.constant 0 : index
    %swap3A_87 = arith.constant 0 : index
    %swap3A_88 = vector.load %arg12[%swap3A_86, %swap3A_87] : memref<1x1xf32, #tpu.memory_space<vmem>>, vector<1x1xf32>
    tpu.vector_store %arg12[%swap3A_86, %swap3A_87], %add3A_85 {strides = array<i32>} : memref<1x1xf32, #tpu.memory_space<vmem>>, vector<1x1xf32>,
    return
  }
}

module attributes {stable_mosaic.version = 14 : i64} {
  func.func @_scores_body(%arg0: i32, %arg1: memref<64x4096xf32, #tpu.memory_space<vmem>>, %arg2: memref<64x4096xf32, #tpu.memory_space<vmem>>, %arg3: memref<64x4096xf32, #tpu.memory_space<vmem>>, %arg4: memref<64x4096xf32, #tpu.memory_space<vmem>>, %arg5: memref<64x4096xf32, #tpu.memory_space<vmem>>, %arg6: memref<64x4096xf32, #tpu.memory_space<vmem>>, %arg7: memref<3x128xf32, #tpu.memory_space<vmem>>, %arg8: memref<6x4096xf32, #tpu.memory_space<vmem>>) attributes {dimension_semantics = [#tpu.dimension_semantics<arbitrary>], iteration_bounds = array<i64: 25>, scalar_prefetch = 0 : i64, scratch_operands = 0 : i64, tpu.core_type = #tpu.core_type<tc>, window_params = [{transform_indices = @transform_0, window_bounds = array<i64: 64, 4096>}, {transform_indices = @transform_1, window_bounds = array<i64: 64, 4096>}, {transform_indices = @transform_2, window_bounds = array<i64: 64, 4096>}, {transform_indices = @transform_3, window_bounds = array<i64: 64, 4096>}, {transform_indices = @transform_4, window_bounds = array<i64: 64, 4096>}, {transform_indices = @transform_5, window_bounds = array<i64: 64, 4096>}, {pipeline_mode = #tpu.pipeline_mode<synchronous>, transform_indices = @transform_6, window_bounds = array<i64: 3, 128>}, {transform_indices = @transform_7, window_bounds = array<i64: 6, 4096>}]} {
    %get3A = arith.constant 0 : index
    %get3A_0 = arith.constant 0 : index
    %get3A_1 = vector.load %arg7[%get3A, %get3A_0] : memref<3x128xf32, #tpu.memory_space<vmem>>, vector<1x64xf32>
    %get3A_2 = arith.constant 0 : index
    %get3A_3 = arith.constant 0 : index
    %get3A_4 = vector.load %arg1[%get3A_2, %get3A_3] : memref<64x4096xf32, #tpu.memory_space<vmem>>, vector<64x4096xf32>
    %dot_general3A = arith.constant dense<0.000000e+00> : vector<1x4096xf32>
    %dot_general3A_5 = tpu.matmul %get3A_1, %get3A_4, %dot_general3A {dimension_numbers = #tpu.dot_dimension_numbers<[1], [0], [0], [1], [0, 0, 1, 1], [], []>, transpose_lhs_hint = false} : vector<1x64xf32>, vector<64x4096xf32>, vector<1x4096xf32> -> vector<1x4096xf32>
    %get3A_6 = arith.constant 0 : index
    %get3A_7 = arith.constant 64 : index
    %get3A_8 = vector.load %arg7[%get3A_6, %get3A_7] : memref<3x128xf32, #tpu.memory_space<vmem>>, vector<1x64xf32>
    %get3A_9 = arith.constant 0 : index
    %get3A_10 = arith.constant 0 : index
    %get3A_11 = vector.load %arg2[%get3A_9, %get3A_10] : memref<64x4096xf32, #tpu.memory_space<vmem>>, vector<64x4096xf32>
    %dot_general3A_12 = arith.constant dense<0.000000e+00> : vector<1x4096xf32>
    %dot_general3A_13 = tpu.matmul %get3A_8, %get3A_11, %dot_general3A_12 {dimension_numbers = #tpu.dot_dimension_numbers<[1], [0], [0], [1], [0, 0, 1, 1], [], []>, transpose_lhs_hint = false} : vector<1x64xf32>, vector<64x4096xf32>, vector<1x4096xf32> -> vector<1x4096xf32>
    %get3A_14 = arith.constant 1 : index
    %get3A_15 = arith.constant 0 : index
    %get3A_16 = vector.load %arg7[%get3A_14, %get3A_15] : memref<3x128xf32, #tpu.memory_space<vmem>>, vector<1x64xf32>
    %get3A_17 = arith.constant 0 : index
    %get3A_18 = arith.constant 0 : index
    %get3A_19 = vector.load %arg3[%get3A_17, %get3A_18] : memref<64x4096xf32, #tpu.memory_space<vmem>>, vector<64x4096xf32>
    %dot_general3A_20 = arith.constant dense<0.000000e+00> : vector<1x4096xf32>
    %dot_general3A_21 = tpu.matmul %get3A_16, %get3A_19, %dot_general3A_20 {dimension_numbers = #tpu.dot_dimension_numbers<[1], [0], [0], [1], [0, 0, 1, 1], [], []>, transpose_lhs_hint = false} : vector<1x64xf32>, vector<64x4096xf32>, vector<1x4096xf32> -> vector<1x4096xf32>
    %get3A_22 = arith.constant 1 : index
    %get3A_23 = arith.constant 64 : index
    %get3A_24 = vector.load %arg7[%get3A_22, %get3A_23] : memref<3x128xf32, #tpu.memory_space<vmem>>, vector<1x64xf32>
    %get3A_25 = arith.constant 0 : index
    %get3A_26 = arith.constant 0 : index
    %get3A_27 = vector.load %arg4[%get3A_25, %get3A_26] : memref<64x4096xf32, #tpu.memory_space<vmem>>, vector<64x4096xf32>
    %dot_general3A_28 = arith.constant dense<0.000000e+00> : vector<1x4096xf32>
    %dot_general3A_29 = tpu.matmul %get3A_24, %get3A_27, %dot_general3A_28 {dimension_numbers = #tpu.dot_dimension_numbers<[1], [0], [0], [1], [0, 0, 1, 1], [], []>, transpose_lhs_hint = false} : vector<1x64xf32>, vector<64x4096xf32>, vector<1x4096xf32> -> vector<1x4096xf32>
    %get3A_30 = arith.constant 2 : index
    %get3A_31 = arith.constant 0 : index
    %get3A_32 = vector.load %arg7[%get3A_30, %get3A_31] : memref<3x128xf32, #tpu.memory_space<vmem>>, vector<1x64xf32>
    %get3A_33 = arith.constant 0 : index
    %get3A_34 = arith.constant 0 : index
    %get3A_35 = vector.load %arg5[%get3A_33, %get3A_34] : memref<64x4096xf32, #tpu.memory_space<vmem>>, vector<64x4096xf32>
    %dot_general3A_36 = arith.constant dense<0.000000e+00> : vector<1x4096xf32>
    %dot_general3A_37 = tpu.matmul %get3A_32, %get3A_35, %dot_general3A_36 {dimension_numbers = #tpu.dot_dimension_numbers<[1], [0], [0], [1], [0, 0, 1, 1], [], []>, transpose_lhs_hint = false} : vector<1x64xf32>, vector<64x4096xf32>, vector<1x4096xf32> -> vector<1x4096xf32>
    %get3A_38 = arith.constant 2 : index
    %get3A_39 = arith.constant 64 : index
    %get3A_40 = vector.load %arg7[%get3A_38, %get3A_39] : memref<3x128xf32, #tpu.memory_space<vmem>>, vector<1x64xf32>
    %get3A_41 = arith.constant 0 : index
    %get3A_42 = arith.constant 0 : index
    %get3A_43 = vector.load %arg6[%get3A_41, %get3A_42] : memref<64x4096xf32, #tpu.memory_space<vmem>>, vector<64x4096xf32>
    %dot_general3A_44 = arith.constant dense<0.000000e+00> : vector<1x4096xf32>
    %dot_general3A_45 = tpu.matmul %get3A_40, %get3A_43, %dot_general3A_44 {dimension_numbers = #tpu.dot_dimension_numbers<[1], [0], [0], [1], [0, 0, 1, 1], [], []>, transpose_lhs_hint = false} : vector<1x64xf32>, vector<64x4096xf32>, vector<1x4096xf32> -> vector<1x4096xf32>
    %concatenate3A = tpu.concatenate %dot_general3A_5, %dot_general3A_13, %dot_general3A_21, %dot_general3A_29, %dot_general3A_37, %dot_general3A_45 in 0 : vector<1x4096xf32>, vector<1x4096xf32>, vector<1x4096xf32>, vector<1x4096xf32>, vector<1x4096xf32>, vector<1x4096xf32> -> vector<6x4096xf32>
    %swap3A = arith.constant 0 : index
    %swap3A_46 = arith.constant 0 : index
    %swap3A_47 = vector.load %arg8[%swap3A, %swap3A_46] : memref<6x4096xf32, #tpu.memory_space<vmem>>, vector<6x4096xf32>
    tpu.vector_store %arg8[%swap3A, %swap3A_46], %concatenate3A {strides = array<i32>} : memref<6x4096xf32, #tpu.memory_space<vmem>>, vector<6x4096xf32>,
    return
  }
  func.func @transform_0(%arg0: i32) -> (i32, i32) {
    %c0_i32 = arith.constant 0 : i32
    %c0_i32_0 = arith.constant 0 : i32
    return %c0_i32, %arg0 : i32, i32
  }
  func.func @transform_1(%arg0: i32) -> (i32, i32) {
    %c0_i32 = arith.constant 0 : i32
    %c0_i32_0 = arith.constant 0 : i32
    return %c0_i32, %arg0 : i32, i32
  }
  func.func @transform_2(%arg0: i32) -> (i32, i32) {
    %c0_i32 = arith.constant 0 : i32
    %c0_i32_0 = arith.constant 0 : i32
    return %c0_i32, %arg0 : i32, i32
  }
  func.func @transform_3(%arg0: i32) -> (i32, i32) {
    %c0_i32 = arith.constant 0 : i32
    %c0_i32_0 = arith.constant 0 : i32
    return %c0_i32, %arg0 : i32, i32
  }
  func.func @transform_4(%arg0: i32) -> (i32, i32) {
    %c0_i32 = arith.constant 0 : i32
    %c0_i32_0 = arith.constant 0 : i32
    return %c0_i32, %arg0 : i32, i32
  }
  func.func @transform_5(%arg0: i32) -> (i32, i32) {
    %c0_i32 = arith.constant 0 : i32
    %c0_i32_0 = arith.constant 0 : i32
    return %c0_i32, %arg0 : i32, i32
  }
  func.func @transform_6(%arg0: i32) -> (i32, i32) {
    %c0_i32 = arith.constant 0 : i32
    %c0_i32_0 = arith.constant 0 : i32
    %c0_i32_1 = arith.constant 0 : i32
    return %c0_i32, %c0_i32_0 : i32, i32
  }
  func.func @transform_7(%arg0: i32) -> (i32, i32) {
    %c0_i32 = arith.constant 0 : i32
    %c0_i32_0 = arith.constant 0 : i32
    return %c0_i32, %arg0 : i32, i32
  }
}

module attributes {stable_mosaic.version = 14 : i64} {
  func.func @_final_body(%arg0: i32, %arg1: memref<1024x512xf32, #tpu.memory_space<vmem>>, %arg2: memref<6x1024xf32, #tpu.memory_space<vmem>>, %arg3: memref<1x512xf32, #tpu.memory_space<vmem>>, %arg4: memref<1x1xf32, #tpu.memory_space<vmem>>, %arg5: memref<1x1024xf32, #tpu.memory_space<vmem>>) attributes {dimension_semantics = [#tpu.dimension_semantics<arbitrary>], iteration_bounds = array<i64: 4>, scalar_prefetch = 0 : i64, scratch_operands = 0 : i64, tpu.core_type = #tpu.core_type<tc>, window_params = [{transform_indices = @transform_0, window_bounds = array<i64: 1024, 512>}, {transform_indices = @transform_1, window_bounds = array<i64: 6, 1024>}, {pipeline_mode = #tpu.pipeline_mode<synchronous>, transform_indices = @transform_2, window_bounds = array<i64: 1, 512>}, {pipeline_mode = #tpu.pipeline_mode<synchronous>, transform_indices = @transform_3, window_bounds = array<i64: 1, 1>}, {transform_indices = @transform_4, window_bounds = array<i64: 1, 1024>}]} {
    %get3A = arith.constant 0 : index
    %get3A_0 = arith.constant 0 : index
    %get3A_1 = vector.load %arg3[%get3A, %get3A_0] : memref<1x512xf32, #tpu.memory_space<vmem>>, vector<1x512xf32>
    %get3A_2 = arith.constant 0 : index
    %get3A_3 = arith.constant 0 : index
    %get3A_4 = vector.load %arg1[%get3A_2, %get3A_3] : memref<1024x512xf32, #tpu.memory_space<vmem>>, vector<1024x512xf32>
    %dot_general3A = arith.constant dense<0.000000e+00> : vector<1x1024xf32>
    %dot_general3A_5 = tpu.matmul %get3A_1, %get3A_4, %dot_general3A {dimension_numbers = #tpu.dot_dimension_numbers<[1], [1], [0], [0], [0, 0, 1, 0], [], []>, transpose_lhs_hint = false} : vector<1x512xf32>, vector<1024x512xf32>, vector<1x1024xf32> -> vector<1x1024xf32>
    %get3A_6 = arith.constant 0 : index
    %get3A_7 = arith.constant 0 : index
    %get3A_8 = vector.load %arg2[%get3A_6, %get3A_7] : memref<6x1024xf32, #tpu.memory_space<vmem>>, vector<6x1024xf32>
    %reduce_sum3A = arith.constant dense<0.000000e+00> : vector<1024xf32>
    %reduce_sum3A_9 = vector.multi_reduction <add>, %get3A_8, %reduce_sum3A [0] : vector<6x1024xf32> to vector<1024xf32>
    %broadcast_in_dim3A = vector.shape_cast %reduce_sum3A_9 : vector<1024xf32> to vector<1x1024xf32>
    %add3A = arith.addf %dot_general3A_5, %broadcast_in_dim3A : vector<1x1024xf32>
    %get3A_10 = arith.constant 0 : index
    %get3A_11 = arith.constant 0 : index
    %get3A_12 = vector.load %arg4[%get3A_10, %get3A_11] : memref<1x1xf32, #tpu.memory_space<vmem>>, vector<1x1xf32>
    %add3A_13 = vector.broadcast %get3A_12 : vector<1x1xf32> to vector<1x1024xf32>
    %add3A_14 = arith.addf %add3A, %add3A_13 : vector<1x1024xf32>
    %neg3A = arith.constant 0.000000e+00 : f32
    %neg3A_15 = vector.broadcast %neg3A : f32 to vector<1x1024xf32>
    %neg3A_16 = arith.subf %neg3A_15, %add3A_14 : vector<1x1024xf32>
    %exp3A = math.exp %neg3A_16 : vector<1x1024xf32>
    %add3A_17 = arith.constant 1.000000e+00 : f32
    %add3A_18 = vector.broadcast %add3A_17 : f32 to vector<1x1024xf32>
    %add3A_19 = arith.addf %add3A_18, %exp3A : vector<1x1024xf32>
    %div3A = arith.constant 1.000000e+00 : f32
    %div3A_20 = vector.broadcast %div3A : f32 to vector<1x1024xf32>
    %div3A_21 = arith.divf %div3A_20, %add3A_19 : vector<1x1024xf32>
    %swap3A = arith.constant 0 : index
    %swap3A_22 = arith.constant 0 : index
    %swap3A_23 = vector.load %arg5[%swap3A, %swap3A_22] : memref<1x1024xf32, #tpu.memory_space<vmem>>, vector<1x1024xf32>
    tpu.vector_store %arg5[%swap3A, %swap3A_22], %div3A_21 {strides = array<i32>} : memref<1x1024xf32, #tpu.memory_space<vmem>>, vector<1x1024xf32>,
    return
  }
  func.func @transform_0(%arg0: i32) -> (i32, i32) {
    %c0_i32 = arith.constant 0 : i32
    %c0_i32_0 = arith.constant 0 : i32
    return %arg0, %c0_i32 : i32, i32
  }
  func.func @transform_1(%arg0: i32) -> (i32, i32) {
    %c0_i32 = arith.constant 0 : i32
    %c0_i32_0 = arith.constant 0 : i32
    return %c0_i32, %arg0 : i32, i32
  }
  func.func @transform_2(%arg0: i32) -> (i32, i32) {
    %c0_i32 = arith.constant 0 : i32
    %c0_i32_0 = arith.constant 0 : i32
    %c0_i32_1 = arith.constant 0 : i32
    return %c0_i32, %c0_i32_0 : i32, i32
  }
  func.func @transform_3(%arg0: i32) -> (i32, i32) {
    %c0_i32 = arith.constant 0 : i32
    %c0_i32_0 = arith.constant 0 : i32
    %c0_i32_1 = arith.constant 0 : i32
    return %c0_i32, %c0_i32_0 : i32, i32
  }
  func.func @transform_4(%arg0: i32) -> (i32, i32) {
    %c0_i32 = arith.constant 0 : i32
    %c0_i32_0 = arith.constant 0 : i32
    return %c0_i32, %arg0 : i32, i32
  }
}

</mosaic_0001>

<sc_bundles>
// kernel: kernel.6.cloned.1.call-start
scs
__scs_entry_jumppad:
0x0: {  	(pc) =	sbr.rel $0x88, $3  }
0x1: {  	(tag) =	ssettag $0x0;
	lr =	simm.s32 $0x1  }
0x2: {  	[smem:$0x3F8D] =	sst lr;
	_ =	strace $0xD0000000  }
0x3: {  	_ = 	snop  }
0x4: {  	_ = 	snop  }
0x5: {  	_ = 	snop  }
0x6: {  	_ = 	snop  }
0x7: {  	_ = 	snop  }
__scs_overlays_trampoline_lowered:
0x8: {  	[smem:$0x3F9C] =	sst s0  }
0x9: {  	[smem:$0x3F9D] =	sst s1  }
0xa: {  	[smem:$0x3F9E] =	sst s2  }
0xb: {  	[smem:$0x3F9F] =	sst s3  }
0xc: {  	[smem:$0x3FA0] =	sst s4  }
0xd: {  	[smem:$0x3FA1] =	sst s5  }
0xe: {  	[smem:$0x3FA2] =	sst s6  }
0xf: {  	[smem:$0x3FA3] =	sst s7  }
0x10: {  	[smem:$0x3FA4] =	sst s8  }
0x11: {  	[smem:$0x3FA5] =	sst s9;
	s0 =	simm.s32 @!p0 $0x0  }
0x12: {  	s1 =	sld [smem:$0x3F8B];
	s0 =	simm.s32 @p0 $0x1  }
0x13: {  	[smem:$0x3FA6] =	sst s0;
	s0 =	simm.s32 @!p1 $0x0  }
0x14: {  	s2 =	sld [smem:$0x3F8A];
	s0 =	simm.s32 @p1 $0x1  }
0x15: {  	[smem:$0x3FA7] =	sst s0;
	s0 =	simm.s32 @!p2 $0x0  }
0x16: {  	s3 =	sld [smem:$0x3FDB];
	s0 =	simm.s32 @p2 $0x1  }
0x17: {  	s4 =	simm.s32 $0x1BF5;
	[smem:$0x3FA9] =	sst s0  }
0x18: {  	s0 =	sld [smem:$0x3F8C];
	_ =	swait.ge [sflag:s4], $0x0  }
0x19: {  	s7 =	sld [smem:$0x3F8D]  }
0x1a: {  	s8 =	sadd.s32 $0xFFFFE003, lr  }
0x1b: {  	s9 =	sadd.s32 $0xFFFFFEF7, lr;
	s5 =	simm.s32 $0xFFFFFFFF;
	p2 =	slt.u32 s8, $0xFFFFF086  }
0x1c: {  	p1 =	slt.u32 s9, $0xF7A;
	s5 =	simm.s32 @!p2 $0x0  }
0x1d: {  	s5 =	simm.s32 @p1 $0x1;
	p0 =	seq.s32 s7, s2  }
0x1e: {  	s7 =	smul.u32 @!p0 $0xF7A, s2;
	p2 =	seq.s32 @!p0 s5, $0x0  }
0x1f: {  	s9 =	smul.u32 $0xF7A, s1;
	s8 =	simm.s32 @!p0 $0x1BF5;
	p2 =	por !p2, p0  }
0x20: {  	[sflag:s8] =	ssyncset.s32 @!p0 $0xFFFFF086;
	s6 =	sadd.s32 @!p0 s3, s7;
	s7 =	simm.s32 @!p0 $0x108  }
0x21: {  	s3 =	sadd.s32 s3, s9;
	s6 =	sadd.s32 @!p0 $0x88, s6;
	s7 =	simm.s32 @p2 $0x1082  }
0x22: {  	[simem:s7], [sflag:s8] =	dma.local @!p0 [hbm:s6], $0xF7A  }
0x23: {  	s9 =	sor.u32 $0xD0000000, s2;
	s6 =	simm.s32 $0x108;
	_ =	swait.ge @!p0 [sflag:s8], $0x0  }
0x24: {  	s3 =	sadd.s32 $0x88, s3;
	s6 =	simm.s32 @!p1 $0x1082;
	[sflag:s4] =	ssyncset.s32 $0xFFFFF086  }
0x25: {  	[simem:s6], [sflag:s4] =	dma.local [hbm:s3], $0xF7A  }
0x26: {  	[smem:$0x3F8D] =	sst s1;
	(tag) =	ssettag s2;
	_ =	strace s9  }
0x27: {  	s1 =	sld [smem:$0x3F9D]  }
0x28: {  	s2 =	sld [smem:$0x3F9E]  }
0x29: {  	s4 =	sld [smem:$0x3FA0]  }
0x2a: {  	p0 =	seq.s32 s5, $0x0;
	s5 =	sld [smem:$0x3FA1]  }
0x2b: {  	s6 =	sld [smem:$0x3FA2]  }
0x2c: {  	s7 =	sld [smem:$0x3FA3]  }
0x2d: {  	s3 =	simm.s32 $0x108;
	s8 =	sld [smem:$0x3FA4]  }
0x2e: {  	s3 =	simm.s32 @!p0 $0x1082;
	s9 =	sld [smem:$0x3FA5]  }
0x2f: {  	lr =	sadd.s32 s0, s3;
	s0 =	sld [smem:$0x3F9C]  }
0x30: {  	s3 =	sld [smem:$0x3F9F]  }
0x31: {  	[smem:$0x3FA8] =	sst s10  }
0x32: {  	s10 =	sld [smem:$0x3FA6];
	_ =	sdelay $0x3  }
0x33: {  	p0 =	seq.s32 s10, $0x1;
	s10 =	sld [smem:$0x3FA8];
	_ =	sdelay $0x3  }
0x34: {  	[smem:$0x3FA8] =	sst s10  }
0x35: {  	s10 =	sld [smem:$0x3FA7];
	_ =	sdelay $0x3  }
0x36: {  	p1 =	seq.s32 s10, $0x1;
	s10 =	sld [smem:$0x3FA8];
	_ =	sdelay $0x3  }
0x37: {  	[smem:$0x3FA8] =	sst s10  }
0x38: {  	s10 =	sld [smem:$0x3FA9]  }
0x39: {  	_ = 	snop;
	(pc) =	sbr.ind lr, $3  }
0x3a: {  	_ = 	snop  }
0x3b: {  	_ = 	snop  }
0x3c: {  	p2 =	seq.s32 s10, $0x1;
	s10 =	sld [smem:$0x3FA8]  }
0x3d: {  	_ =	shalt  }
0x3e: {  	_ =	shalt  }
0x3f: {  	_ =	shalt  }
0x40: {  	_ =	shalt  }
0x41: {  	_ =	shalt  }
0x42: {  	_ =	shalt  }
0x43: {  	_ =	shalt  }
0x44: {  	_ =	shalt  }
0x45: {  	_ =	shalt  }
0x46: {  	_ =	shalt  }
0x47: {  	_ =	shalt  }
0x48: {  	_ =	shalt  }
0x49: {  	_ =	shalt  }
0x4a: {  	_ =	shalt  }
0x4b: {  	_ =	shalt  }
0x4c: {  	_ =	shalt  }
0x4d: {  	_ =	shalt  }
0x4e: {  	_ =	shalt  }
0x4f: {  	_ =	shalt  }
0x50: {  	_ =	shalt  }
0x51: {  	_ =	shalt  }
0x52: {  	_ =	shalt  }
0x53: {  	_ =	shalt  }
0x54: {  	_ =	shalt  }
0x55: {  	_ =	shalt  }
0x56: {  	_ =	shalt  }
0x57: {  	_ =	shalt  }
0x58: {  	_ =	shalt  }
0x59: {  	_ =	shalt  }
0x5a: {  	_ =	shalt  }
0x5b: {  	_ =	shalt  }
0x5c: {  	_ =	shalt  }
0x5d: {  	_ =	shalt  }
0x5e: {  	_ =	shalt  }
0x5f: {  	_ =	shalt  }
0x60: {  	_ =	shalt  }
0x61: {  	_ =	shalt  }
0x62: {  	_ =	shalt  }
0x63: {  	_ =	shalt  }
0x64: {  	_ =	shalt  }
0x65: {  	_ =	shalt  }
0x66: {  	_ =	shalt  }
0x67: {  	_ =	shalt  }
0x68: {  	_ =	shalt  }
0x69: {  	_ =	shalt  }
0x6a: {  	_ =	shalt  }
0x6b: {  	_ =	shalt  }
0x6c: {  	_ =	shalt  }
0x6d: {  	_ =	shalt  }
0x6e: {  	_ =	shalt  }
0x6f: {  	_ =	shalt  }
0x70: {  	_ =	shalt  }
0x71: {  	_ =	shalt  }
0x72: {  	_ =	shalt  }
0x73: {  	_ =	shalt  }
0x74: {  	_ =	shalt  }
0x75: {  	_ =	shalt  }
0x76: {  	_ =	shalt  }
0x77: {  	_ =	shalt  }
0x78: {  	_ =	shalt  }
0x79: {  	_ =	shalt  }
0x7a: {  	_ =	shalt  }
0x7b: {  	_ =	shalt  }
0x7c: {  	_ =	shalt  }
0x7d: {  	_ =	shalt  }
0x7e: {  	_ =	shalt  }
0x7f: {  	_ =	shalt  }
0x80: {  	_ =	shalt  }
0x81: {  	_ =	shalt  }
0x82: {  	_ =	shalt  }
0x83: {  	_ =	shalt  }
0x84: {  	_ =	shalt  }
0x85: {  	_ =	shalt  }
0x86: {  	_ =	shalt  }
0x87: {  	_ =	shalt  }
.Lfunc_end0:
.L_simem_size_0:
called_computation_lowered:
.L_overlay_start_0:
0x88: {  	s2 =	sld [smem:$0x3FD9]  }
0x89: {  	s3 =	sld [smem:$0x3FFE];
	_ =	sdelay $0x1  }
0x8a: {  	s1 =	srdreg.scid  }
0x8b: {  	s0 =	sand.u32 $0x1, s1  }
0x8c: {  	s16 =	sshll.u32 s0, $0xA;
	s2 =	sadd.s32 s3, s2  }
0x8d: {  	s2 =	sadd.s32 s2, s16  }
0x8e: {  	[smem:$0x3FB4] =	sst s2  }
0x8f: {  	_ = 	snop  }
0x90: {  	(tm) =	ssettm $0x1  }
0x91: {  	s17 =	sld [smem:$0x3FFB];
	_ =	sdelay $0x3  }
0x92: {  	_ =	strace s17  }
0x93: {  	s2 =	sld [smem:$0x3FFC];
	_ =	sdelay $0x3  }
0x94: {  	_ =	strace s2  }
0x95: {  	s2 =	sld [smem:$0x3FFD];
	_ =	sdelay $0x3  }
0x96: {  	_ =	strace s2  }
0x97: {  	_ =	strace $0x8FFFFFFF  }
0x98: {  	s18 =	sld [smem:$0x3FDB];
	_ =	sdelay $0x1  }
0x99: {  	s19 =	simm.s32 $_scs_section_size  }
0x9a: {  	s4 =	simm.s32 $_size__tile_overlayer_lowered;
	s5 =	simm.s32 $_tile_overlayer_lowered  }
0x9b: {  	s22 =	simm.s32 $0x1BFF;
	s21 =	sshll.u32 s5, $0x1;
	s2 =	sadd.s32 s19, s18  }
0x9c: {  	s6 =	simm.s32 $0x0;
	s20 =	sshll.u32 s4, $0x1;
	s4 =	sadd.s32 s21, s2  }
0x9d: {  	[timem:s6], [sflag:s22] =	dma.local [hbm:s4], s20  }
0x9e: {  	_ =	swait.ge [sflag:s22], s20  }
0x9f: {  	s3 =	ssub.s32 $0x0, s20;
	[sflag:s22] =	ssyncset.done $0x0  }
0xa0: {  	[sflag:s22] =	ssyncadd.s32 s3;
	_ =	sdelay $0x1  }
0xa1: {  	s23 =	simm.s32 $0x1B8B  }
0xa2: {  	_ =	swait.ge [sflag:s23], $0x1  }
0xa3: {  	[sflag:s23] =	ssyncset.done $0x0  }
0xa4: {  	s25 =	simm.s32 $0x1B8E;
	s24 =	sld [smem:$0x3FFE];
	[sflag:s23] =	ssyncadd.s32 $0xFFFFFFFF  }
0xa5: {  	s26 =	simm.s32 $execute0_lowered;
	[smem:$0x3FD2] =	sst s25  }
0xa6: {  	s4 =	sshll.u32 s26, $0x1;
	_ =	strace $0x80000046;
	[dreg:$0x1] =	wrdreg $0xFFFFFFFF  }
0xa7: {  	s28 =	simm.s32 $_size_execute0_lowered;
	s2 =	sadd.s32 s2, s4;
	[dreg:$0x0] =	wrdreg $0x0  }
0xa8: {  	s4 =	sshll.u32 s28, $0x1;
	[dreg:$0x2] =	wrdreg s2  }
0xa9: {  	[dreg:$0x3] =	wrdreg s4  }
0xaa: {  	[dreg:$0x4] =	wrdreg $0xC0  }
0xab: {  	_ =	task [dreg:s6], $0x5FFFF  }
0xac: {  	[dreg:$0x1] =	wrdreg $0xFFFFFFFF  }
0xad: {  	[dreg:$0x0] =	wrdreg $0x60  }
0xae: {  	[dreg:$0x2] =	wrdreg s24  }
0xaf: {  	[dreg:$0x3] =	wrdreg $0x9  }
0xb0: {  	_ =	task.clear_ibuf [dreg:s6], $0x4FFFF;
	_ =	strace $0x90000046  }
0xb1: {  	s29 =	simm.s32 $0x9;
	_ =	strace $0x80000048  }
0xb2: {  	_ =	swait.ge [sflag:s29], $0x1  }
0xb3: {  	[sflag:s29] =	ssyncadd.s32 $0xFFFFFFFF  }
0xb4: {  	_ =	strace $0x90000048  }
0xb5: {  	_ =	sfence  }
0xb6: {  	s30 =	sld [smem:$0x0];
	_ =	sdelay $0x2  }
0xb7: {  	s31 =	sshll.u32 s1, $0xD;
	s1 =	sshrl.u32 s1, $0x2  }
0xb8: {  	s3 =	sand.u32 $0x4000, s31;
	s1 =	sadd.s32 s1, s30  }
0xb9: {  	s0 =	sor.u32 s3, s0;
	s1 =	sshll.u32 s1, $0x11  }
0xba: {  	s0 =	sor.u32 s1, s0  }
0xbb: {  	s0 =	sadd.s32 $0x8F2B, s0  }
0xbc: {  	[sflag:s0] =	ssyncadd.remote.s32 $0x1  }
0xbd: {  	_ =	sfence.sel $0xFFFF  }
0xbe: {  	[dreg:$0x0] =	wrdreg $0xFFFFFFFF;
	(pc) =	sbr.abs _section_cstart, $3  }
0xbf: {  	[dreg:$0x1] =	wrdreg $0xFFFFFFFF  }
0xc0: {  	_ =	task.clear_ibuf [dreg:s6], $0x2FFFF;
	_ =	strace $0x9FFFFFFF  }
0xc1: {  	(tm) =	ssettm $0x7FFFFFFF  }
tec
execute0_lowered:
.L_overlay_start_1:
0x0: {  	(tag) =	ssettag $0x1  }
0x1: {  	s1 =	stileid.u32  }
0x2: {  	p0 =	sgt.u32 s1, $0xB  }
.Ltmp0:
0x3: {  	_ = 	snop;
	(pc) =	sbr.rel @p0 .LBB2_7-.Ltmp0, $4  }
0x4: {  	_ = 	snop  }
0x5: {  	s3 =	rddreg [dreg:$0x0];
	s2 =	simm.s32 $0x0  }
0x6: {  	[smem:$0x7FF] =	sst s2  }
0x7: {  	s0 =	rddreg [dreg:$0x1];
	_ =	strace $0x80000047  }
0x8: {  	s4 =	srdreg.scid;
	s26 =	sshll.u32 s1, $0x1  }
0x9: {  	s7 =	sshrl.u32 s1, $0x1;
	s9 =	sadd.s32 $0x16C00, s3;
	p0 =	sgt.u32 s1, $0x7  }
0xa: {  	p1 =	slt.u32 s1, $0x8;
	s13 =	simm.s32 $0x100;
	s14 =	simm.s32 $0x18700  }
0xb: {  	s15 =	simm.s32 $0x1D700;
	s16 =	simm.s32 $0x0;
	s6 =	sand.u32 $0x1, s4  }
0xc: {  	s5 =	sshll.u32 s7, $0x2;
	s28 =	smul.u32 $0x14000, s7;
	s4 =	sor.u32 s6, s26  }
0xd: {  	s10 =	sshll.u32 s7, $0x7;
	s11 =	ssub.s32 $0x2, s6;
	s4 =	ssub.s32 s4, s5  }
0xe: {  	s12 =	sshll.u32 s7, $0x4;
	s30 =	sshrl.u32 s11, $0x1;
	s8 =	smul.u32 $0x5000, s4  }
0xf: {  	s4 =	sshll.u32 s4, $0xD;
	s31 =	ssub.s32 s11, s30;
	s11 =	simm.s32 $0x400  }
0x10: {  	s4 =	sor.u32 s10, s4;
	s10 =	simm.s32 $0x80;
	s5 =	sadd.s32 s28, s8  }
0x11: {  	s4 =	sshrl.u32 s4, $0x3;
	s8 =	sadd.s32 $0xFFFB0000, s5;
	s5 =	sshrl.u32 s5, $0x3  }
0x12: {  	s29 =	sadd.s32 s4, s3;
	s8 =	sshrl.u32 s8, $0x3;
	s5 =	sadd.s32 s5, s3  }
0x13: {  	s7 =	sadd.s32 $0x2F400, s29;
	s8 =	sadd.s32 s8, s3;
	s3 =	sadd.s32 $0x7A00, s5  }
0x14: {  	s5 =	sadd.s32 $0x7A10, s5;
	s4 =	sadd.s32 $0x2A00, s8;
	s6 =	sadd.s32 $0x2A10, s8  }
0x15: {  	s8 =	sadd.s32 s9, s12;
	s9 =	smax.u32 s31, $0x1;
	s12 =	simm.s32 $0x1  }
.LBB2_2:
0x16: {  	[tilespmem:s2], [sflag:$0x1] =	stream.strided.gather [hbm4b:s8+s10], $0x18700, s11, s10, $0x38;
	[tilespmem:$0x1DB00] =	vst v63  }
0x17: {  	_ =	swait.ge [sflag:s12], $0x18700  }
0x18: {  	[sflag:s12] =	ssyncset.done $0x0  }
0x19: {  	[sflag:s12] =	ssyncadd.s32 $0xFFFE7900  }
0x1a: {  	[tilespmem:s14], [sflag:$0x1] =	stream.strided.gather [hbm4b:s3+s10], $0x2800, s13, s10, $0x38;
	[tilespmem:$0x1DB00] =	vst v63  }
0x1b: {  	_ =	swait.ge [sflag:s12], $0x2800  }
0x1c: {  	s17 =	simm.s32 @!p1 $0x80;
	[sflag:s12] =	ssyncset.done $0x0  }
0x1d: {  	s18 =	simm.s32 @!p1 $0x100;
	s19 =	simm.s32 @!p1 $0x1AF00;
	[sflag:s12] =	ssyncadd.s32 $0xFFFFD800  }
0x1e: {  	[tilespmem:s19], [sflag:$0x1] =	stream.strided.gather @!p1 [hbm4b:s4+s17], $0x2800, s18, s17, $0x38;
	[tilespmem:$0x1DB00] =	vst v63  }
0x1f: {  	s17 =	simm.s32 @!p1 $0x1  }
0x20: {  	_ =	swait.ge @!p1 [sflag:s17], $0x2800  }
0x21: {  	[sflag:s17] =	ssyncset.done @!p1 $0x0  }
0x22: {  	[sflag:s17] =	ssyncadd.s32 @!p1 $0xFFFFD800;
	s17 =	simm.s32 $0x0  }
0x23: {  	v0 =	vld [tilespmem:s17+$0x1AB00]  }
0x24: {  	v1 =	vld [tilespmem:s17+$0x1A700]  }
0x25: {  	v2 =	vld [tilespmem:s17+$0x18700]  }
0x26: {  	v3 =	vld [tilespmem:s17+$0x1A300]  }
0x27: {  	v4 =	vld [tilespmem:s17+$0x18B00]  }
0x28: {  	v5 =	vld [tilespmem:s17+$0x19F00]  }
0x29: {  	v6 =	vld [tilespmem:s17+$0x18F00]  }
0x2a: {  	v7 =	vld [tilespmem:s17+$0x19B00]  }
0x2b: {  	v8 =	vld [tilespmem:s17+$0x19300]  }
0x2c: {  	v9 =	vld [tilespmem:s17+$0x19700]  }
0x2d: {  	v10 =	vld [tilespmem:s17+$0x1AF00]  }
0x2e: {  	v2 =	vld.idx.msk [tilespmem:v2+s2+$0x0], $0xffff  }
0x2f: {  	v11 =	vld [tilespmem:s17+$0x1B300]  }
0x30: {  	v4 =	vld.idx.msk [tilespmem:v4+s2+$0x0], $0xffff  }
0x31: {  	v12 =	vld [tilespmem:s17+$0x1B700]  }
0x32: {  	v6 =	vld.idx.msk [tilespmem:v6+s2+$0x0], $0xffff  }
0x33: {  	v13 =	vld [tilespmem:s17+$0x1BB00];
	v10 =	vmul.f32 v10, v2  }
0x34: {  	v8 =	vld.idx.msk [tilespmem:v8+s2+$0x0], $0xffff  }
0x35: {  	v9 =	vld.idx.msk [tilespmem:v9+s2+$0x0], $0xffff;
	v2 =	vpsel p0, v10, v2;
	v10 =	vmul.f32 v11, v4  }
0x36: {  	v11 =	vld [tilespmem:s17+$0x1BF00];
	v2 =	vadd.f32 $0.0e+00, v2  }
0x37: {  	v7 =	vld.idx.msk [tilespmem:v7+s2+$0x0], $0xffff;
	v4 =	vpsel p0, v10, v4;
	v10 =	vmul.f32 v12, v6  }
0x38: {  	v2 =	vadd.f32 v4, v2;
	v4 =	vld [tilespmem:s17+$0x1C300]  }
0x39: {  	v63 =	vld.idx.msk [tilespmem:v5+s2+$0x0], $0xffff;
	v6 =	vpsel p0, v10, v6;
	v10 =	vmul.f32 v13, v8  }
0x3a: {  	v5 =	vadd.f32 v6, v2;
	v6 =	vld [tilespmem:s17+$0x1C700]  }
0x3b: {  	v2 =	vld.idx.msk [tilespmem:v3+s2+$0x0], $0xffff;
	v8 =	vpsel p0, v10, v8;
	v10 =	vmul.f32 v11, v9  }
0x3c: {  	v5 =	vadd.f32 v8, v5;
	v8 =	vld [tilespmem:s17+$0x1CB00]  }
0x3d: {  	v3 =	vld.idx.msk [tilespmem:v1+s2+$0x0], $0xffff;
	v9 =	vpsel p0, v10, v9;
	v4 =	vmul.f32 v4, v7  }
0x3e: {  	v1 =	vadd.f32 v9, v5;
	v5 =	vld [tilespmem:s17+$0x1CF00]  }
0x3f: {  	v7 =	vpsel p0, v4, v7;
	v9 =	vmul.f32 v6, v63;
	v4 =	vld.idx.msk [tilespmem:v0+s2+$0x0], $0xffff  }
0x40: {  	s18 =	simm.s32 $0x10;
	v6 =	vld [tilespmem:s17+$0x1D300];
	v10 =	vadd.f32 v7, v1  }
0x41: {  	v0 =	vld [tilespmem:s18+$0x1AB00];
	v9 =	vpsel p0, v9, v63;
	v7 =	vmul.f32 v8, v2  }
0x42: {  	s19 =	simm.s32 $0x80;
	v1 =	vld [tilespmem:s18+$0x1A700];
	v8 =	vadd.f32 v9, v10  }
.LBB2_3:
0x43: {  	p2 =	sne.s32 s19, $0xFC0;
	v9 =	vld [tilespmem:s18+$0x18700];
	v2 =	vpsel p0, v7, v2;
	v5 =	vmul.f32 v5, v3  }
0x44: {  	v7 =	vld [tilespmem:s18+$0x1A300];
	v2 =	vadd.f32 v2, v8  }
0x45: {  	v8 =	vld [tilespmem:s18+$0x18B00];
	v3 =	vpsel p0, v5, v3;
	v5 =	vmul.f32 v6, v4  }
0x46: {  	v6 =	vld [tilespmem:s18+$0x19F00];
	v2 =	vadd.f32 v3, v2  }
0x47: {  	v3 =	vld [tilespmem:s18+$0x18F00];
	v4 =	vpsel p0, v5, v4  }
0x48: {  	v5 =	vld [tilespmem:s18+$0x19B00];
	v2 =	vadd.f32 v4, v2  }
0x49: {  	v4 =	vld [tilespmem:s18+$0x19300]  }
0x4a: {  	v10 =	vld [tilespmem:s18+$0x19700];
	[tilespmem:s17+$0x1D700] =	vst v2;
	s17 =	smov.u32 s18  }
0x4b: {  	v2 =	vld.idx.msk [tilespmem:v9+s2+$0x0], $0xffff  }
0x4c: {  	v9 =	vld [tilespmem:s17+$0x1AF00]  }
0x4d: {  	v8 =	vld.idx.msk [tilespmem:v8+s2+$0x0], $0xffff  }
0x4e: {  	v11 =	vld [tilespmem:s17+$0x1B300]  }
0x4f: {  	v3 =	vld.idx.msk [tilespmem:v3+s2+$0x0], $0xffff  }
0x50: {  	v12 =	vld [tilespmem:s17+$0x1B700]  }
0x51: {  	v9 =	vmul.f32 v9, v2;
	v4 =	vld.idx.msk [tilespmem:v4+s2+$0x0], $0xffff  }
0x52: {  	v13 =	vld [tilespmem:s17+$0x1BB00]  }
0x53: {  	v2 =	vpsel p0, v9, v2;
	v9 =	vmul.f32 v11, v8;
	v10 =	vld.idx.msk [tilespmem:v10+s2+$0x0], $0xffff  }
0x54: {  	v2 =	vadd.f32 $0.0e+00, v2;
	v11 =	vld [tilespmem:s17+$0x1BF00]  }
0x55: {  	v8 =	vpsel p0, v9, v8;
	v9 =	vmul.f32 v12, v3;
	v12 =	vld.idx.msk [tilespmem:v5+s2+$0x0], $0xffff  }
0x56: {  	v2 =	vadd.f32 v8, v2;
	v5 =	vld [tilespmem:s17+$0x1C300]  }
0x57: {  	v3 =	vpsel p0, v9, v3;
	v8 =	vmul.f32 v13, v4;
	v9 =	vld.idx.msk [tilespmem:v6+s2+$0x0], $0xffff  }
0x58: {  	v3 =	vadd.f32 v3, v2;
	v6 =	vld [tilespmem:s17+$0x1C700]  }
0x59: {  	v4 =	vpsel p0, v8, v4;
	v8 =	vmul.f32 v11, v10;
	v2 =	vld.idx.msk [tilespmem:v7+s2+$0x0], $0xffff  }
0x5a: {  	v4 =	vadd.f32 v4, v3;
	v7 =	vld [tilespmem:s17+$0x1CB00]  }
0x5b: {  	v8 =	vpsel p0, v8, v10;
	v10 =	vmul.f32 v5, v12;
	v3 =	vld.idx.msk [tilespmem:v1+s2+$0x0], $0xffff  }
.Ltmp1:
0x5c: {  	v1 =	vadd.f32 v8, v4;
	v5 =	vld [tilespmem:s17+$0x1CF00];
	(pc) =	sbr.rel @p2 .LBB2_3-.Ltmp1, $4  }
0x5d: {  	v8 =	vpsel p0, v10, v12;
	v10 =	vmul.f32 v6, v9;
	v4 =	vld.idx.msk [tilespmem:v0+s2+$0x0], $0xffff  }
0x5e: {  	s18 =	sshra.s32 s19, $0x2;
	v8 =	vadd.f32 v8, v1;
	v6 =	vld [tilespmem:s17+$0x1D300]  }
0x5f: {  	v0 =	vld [tilespmem:s18+$0x1AB00];
	v9 =	vpsel p0, v10, v9;
	v7 =	vmul.f32 v7, v2  }
0x60: {  	s19 =	sadd.s32 $0x40, s19;
	v1 =	vld [tilespmem:s18+$0x1A700];
	v8 =	vadd.f32 v9, v8  }
0x61: {  	v9 =	vld [tilespmem:s18+$0x18700];
	v2 =	vpsel p0, v7, v2;
	v5 =	vmul.f32 v5, v3  }
0x62: {  	v7 =	vld [tilespmem:s18+$0x1A300];
	v2 =	vadd.f32 v2, v8  }
0x63: {  	v10 =	vld [tilespmem:s18+$0x19700];
	v3 =	vpsel p0, v5, v3;
	v5 =	vmul.f32 v6, v4  }
0x64: {  	v8 =	vld [tilespmem:s18+$0x18B00];
	v2 =	vadd.f32 v3, v2  }
0x65: {  	v6 =	vld [tilespmem:s18+$0x19F00];
	v4 =	vpsel p0, v5, v4  }
0x66: {  	v3 =	vld [tilespmem:s18+$0x18F00];
	v2 =	vadd.f32 v4, v2  }
0x67: {  	v5 =	vld [tilespmem:s18+$0x19B00]  }
0x68: {  	v4 =	vld [tilespmem:s18+$0x19300];
	[tilespmem:s17+$0x1D700] =	vst v2  }
0x69: {  	v2 =	vld.idx.msk [tilespmem:v9+s2+$0x0], $0xffff  }
0x6a: {  	v45 =	vld [tilespmem:s18+$0x1AF00]  }
0x6b: {  	v11 =	vld [tilespmem:s18+$0x1B300]  }
0x6c: {  	v8 =	vld.idx.msk [tilespmem:v8+s2+$0x0], $0xffff  }
0x6d: {  	v12 =	vld [tilespmem:s18+$0x1B700]  }
0x6e: {  	v3 =	vld.idx.msk [tilespmem:v3+s2+$0x0], $0xffff  }
0x6f: {  	v13 =	vld [tilespmem:s18+$0x1BB00];
	v9 =	vmul.f32 v45, v2  }
0x70: {  	v4 =	vld.idx.msk [tilespmem:v4+s2+$0x0], $0xffff  }
0x71: {  	v10 =	vld.idx.msk [tilespmem:v10+s2+$0x0], $0xffff;
	v46 =	vmul.f32 v11, v8;
	v2 =	vpsel p0, v9, v2  }
0x72: {  	v47 =	vld [tilespmem:s18+$0x1BF00];
	v2 =	vadd.f32 $0.0e+00, v2  }
0x73: {  	v5 =	vld.idx.msk [tilespmem:v5+s2+$0x0], $0xffff;
	v8 =	vpsel p0, v46, v8;
	v48 =	vmul.f32 v12, v3  }
0x74: {  	v2 =	vadd.f32 v8, v2;
	v8 =	vld [tilespmem:s18+$0x1C300]  }
0x75: {  	v6 =	vld.idx.msk [tilespmem:v6+s2+$0x0], $0xffff;
	v3 =	vpsel p0, v48, v3;
	v49 =	vmul.f32 v13, v4  }
0x76: {  	v2 =	vadd.f32 v3, v2;
	v3 =	vld [tilespmem:s18+$0x1C700]  }
0x77: {  	v7 =	vld.idx.msk [tilespmem:v7+s2+$0x0], $0xffff;
	v50 =	vmul.f32 v47, v10;
	v4 =	vpsel p0, v49, v4  }
0x78: {  	v2 =	vadd.f32 v4, v2;
	v4 =	vld [tilespmem:s18+$0x1CB00]  }
0x79: {  	v1 =	vld.idx.msk [tilespmem:v1+s2+$0x0], $0xffff;
	v9 =	vpsel p0, v50, v10;
	v8 =	vmul.f32 v8, v5  }
0x7a: {  	v51 =	vld [tilespmem:s18+$0x1CF00];
	v2 =	vadd.f32 v9, v2  }
0x7b: {  	v0 =	vld.idx.msk [tilespmem:v0+s2+$0x0], $0xffff;
	v5 =	vpsel p0, v8, v5;
	v3 =	vmul.f32 v3, v6  }
0x7c: {  	v2 =	vadd.f32 v5, v2;
	v5 =	vld [tilespmem:s18+$0x1D300]  }
0x7d: {  	v3 =	vpsel p0, v3, v6;
	v4 =	vmul.f32 v4, v7  }
0x7e: {  	v2 =	vadd.f32 v3, v2  }
0x7f: {  	v3 =	vpsel p0, v4, v7;
	v4 =	vmul.f32 v51, v1  }
0x80: {  	v2 =	vadd.f32 v3, v2  }
0x81: {  	v1 =	vpsel p0, v4, v1;
	v3 =	vmul.f32 v5, v0  }
0x82: {  	v1 =	vadd.f32 v1, v2  }
0x83: {  	v0 =	vpsel p0, v3, v0  }
0x84: {  	v0 =	vadd.f32 v0, v1;
	_ =	sdelay $0x1  }
0x85: {  	[tilespmem:s18+$0x1D700] =	vst v0  }
0x86: {  	[tilespmem:s14], [sflag:$0x1] =	stream.strided.gather [hbm4b:s5+s10], $0x2800, s13, s10, $0x38;
	[tilespmem:$0x1DB00] =	vst v63  }
0x87: {  	_ =	swait.ge [sflag:s12], $0x2800  }
0x88: {  	s19 =	simm.s32 @!p1 $0x1AF00;
	[sflag:s12] =	ssyncset.done $0x0  }
0x89: {  	s17 =	simm.s32 @!p1 $0x80;
	s18 =	simm.s32 @!p1 $0x100;
	[sflag:s12] =	ssyncadd.s32 $0xFFFFD800  }
0x8a: {  	[tilespmem:s19], [sflag:$0x1] =	stream.strided.gather @!p1 [hbm4b:s6+s17], $0x2800, s18, s17, $0x38;
	[tilespmem:$0x1DB00] =	vst v63  }
0x8b: {  	s17 =	simm.s32 @!p1 $0x1  }
0x8c: {  	_ =	swait.ge @!p1 [sflag:s17], $0x2800  }
0x8d: {  	[sflag:s17] =	ssyncset.done @!p1 $0x0  }
0x8e: {  	[sflag:s17] =	ssyncadd.s32 @!p1 $0xFFFFD800;
	s17 =	simm.s32 $0x0  }
0x8f: {  	v0 =	vld [tilespmem:s17+$0x1AB00]  }
0x90: {  	v1 =	vld [tilespmem:s17+$0x1A700]  }
0x91: {  	v2 =	vld [tilespmem:s17+$0x18700]  }
0x92: {  	v3 =	vld [tilespmem:s17+$0x1A300]  }
0x93: {  	v4 =	vld [tilespmem:s17+$0x18B00]  }
0x94: {  	v5 =	vld [tilespmem:s17+$0x19F00]  }
0x95: {  	v6 =	vld [tilespmem:s17+$0x18F00]  }
0x96: {  	v7 =	vld [tilespmem:s17+$0x19B00]  }
0x97: {  	v8 =	vld [tilespmem:s17+$0x19300]  }
0x98: {  	v52 =	vld [tilespmem:s17+$0x19700]  }
0x99: {  	v53 =	vld [tilespmem:s17+$0x1AF00]  }
0x9a: {  	v2 =	vld.idx.msk [tilespmem:v2+s2+$0x0], $0xffff  }
0x9b: {  	v54 =	vld [tilespmem:s17+$0x1B300]  }
0x9c: {  	v4 =	vld.idx.msk [tilespmem:v4+s2+$0x0], $0xffff  }
0x9d: {  	v55 =	vld [tilespmem:s17+$0x1B700]  }
0x9e: {  	v6 =	vld.idx.msk [tilespmem:v6+s2+$0x0], $0xffff  }
0x9f: {  	v56 =	vld [tilespmem:s17+$0x1BB00];
	v10 =	vmul.f32 v53, v2  }
0xa0: {  	v8 =	vld.idx.msk [tilespmem:v8+s2+$0x0], $0xffff  }
0xa1: {  	v58 =	vld [tilespmem:s17+$0x1BF00];
	v57 =	vmul.f32 v54, v4;
	v2 =	vpsel p0, v10, v2  }
0xa2: {  	v9 =	vld.idx.msk [tilespmem:v52+s2+$0x0], $0xffff;
	v2 =	vadd.f32 $0.0e+00, v2  }
0xa3: {  	v7 =	vld.idx.msk [tilespmem:v7+s2+$0x0], $0xffff;
	v59 =	vmul.f32 v55, v6;
	v4 =	vpsel p0, v57, v4  }
0xa4: {  	v2 =	vadd.f32 v4, v2;
	v4 =	vld [tilespmem:s17+$0x1C300]  }
0xa5: {  	v61 =	vld.idx.msk [tilespmem:v5+s2+$0x0], $0xffff;
	v60 =	vmul.f32 v56, v8;
	v6 =	vpsel p0, v59, v6  }
0xa6: {  	v5 =	vld [tilespmem:s17+$0x1C700];
	v2 =	vadd.f32 v6, v2  }
0xa7: {  	v62 =	vld.idx.msk [tilespmem:v3+s2+$0x0], $0xffff;
	v6 =	vpsel p0, v60, v8;
	v8 =	vmul.f32 v58, v9  }
0xa8: {  	v2 =	vadd.f32 v6, v2;
	v6 =	vld [tilespmem:s17+$0x1CB00]  }
0xa9: {  	v3 =	vld.idx.msk [tilespmem:v1+s2+$0x0], $0xffff;
	v8 =	vpsel p0, v8, v9;
	v4 =	vmul.f32 v4, v7  }
0xaa: {  	v1 =	vadd.f32 v8, v2;
	v8 =	vld [tilespmem:s17+$0x1CF00]  }
0xab: {  	v2 =	vld.idx.msk [tilespmem:v0+s2+$0x0], $0xffff;
	v4 =	vpsel p0, v4, v7;
	v7 =	vmul.f32 v5, v61  }
0xac: {  	v5 =	vld [tilespmem:s17+$0x1D300];
	v1 =	vadd.f32 v4, v1  }
0xad: {  	s18 =	simm.s32 $0x10;
	v4 =	vpsel p0, v7, v61;
	v6 =	vmul.f32 v6, v62  }
0xae: {  	v0 =	vld [tilespmem:s18+$0x1AB00];
	v63 =	vadd.f32 v4, v1  }
0xaf: {  	v1 =	vld [tilespmem:s18+$0x1A700];
	v6 =	vpsel p0, v6, v62;
	v7 =	vmul.f32 v8, v3  }
0xb0: {  	s19 =	simm.s32 $0x80;
	v4 =	vld [tilespmem:s18+$0x18700];
	v6 =	vadd.f32 v6, v63  }
.LBB2_5:
0xb1: {  	p2 =	sne.s32 s19, $0xFC0;
	v3 =	vpsel p0, v7, v3;
	v5 =	vmul.f32 v5, v2;
	v7 =	vld [tilespmem:s17+$0x1D700]  }
0xb2: {  	v8 =	vld [tilespmem:s18+$0x1A300];
	v3 =	vadd.f32 v3, v6  }
0xb3: {  	v6 =	vld [tilespmem:s18+$0x18B00];
	v2 =	vpsel p0, v5, v2  }
0xb4: {  	v5 =	vld [tilespmem:s18+$0x19F00];
	v2 =	vadd.f32 v2, v3  }
0xb5: {  	v3 =	vld [tilespmem:s18+$0x18F00]  }
0xb6: {  	v9 =	vld [tilespmem:s18+$0x19B00];
	v2 =	vadd.f32 v7, v2  }
0xb7: {  	v7 =	vld [tilespmem:s18+$0x19300]  }
0xb8: {  	v10 =	vld [tilespmem:s18+$0x19700];
	[tilespmem:s17+$0x1D700] =	vst v2;
	s17 =	smov.u32 s18  }
0xb9: {  	v2 =	vld.idx.msk [tilespmem:v4+s2+$0x0], $0xffff  }
0xba: {  	v4 =	vld [tilespmem:s17+$0x1AF00]  }
0xbb: {  	v6 =	vld.idx.msk [tilespmem:v6+s2+$0x0], $0xffff  }
0xbc: {  	v11 =	vld [tilespmem:s17+$0x1B300]  }
0xbd: {  	v3 =	vld.idx.msk [tilespmem:v3+s2+$0x0], $0xffff  }
0xbe: {  	v12 =	vld [tilespmem:s17+$0x1B700]  }
0xbf: {  	v4 =	vmul.f32 v4, v2;
	v7 =	vld.idx.msk [tilespmem:v7+s2+$0x0], $0xffff  }
0xc0: {  	v13 =	vld [tilespmem:s17+$0x1BB00]  }
0xc1: {  	v2 =	vpsel p0, v4, v2;
	v4 =	vmul.f32 v11, v6;
	v10 =	vld.idx.msk [tilespmem:v10+s2+$0x0], $0xffff  }
0xc2: {  	v2 =	vadd.f32 $0.0e+00, v2;
	v11 =	vld [tilespmem:s17+$0x1BF00]  }
0xc3: {  	v4 =	vpsel p0, v4, v6;
	v6 =	vmul.f32 v12, v3;
	v9 =	vld.idx.msk [tilespmem:v9+s2+$0x0], $0xffff  }
0xc4: {  	v2 =	vadd.f32 v4, v2;
	v4 =	vld [tilespmem:s17+$0x1C300]  }
0xc5: {  	v3 =	vpsel p0, v6, v3;
	v6 =	vmul.f32 v13, v7;
	v12 =	vld.idx.msk [tilespmem:v5+s2+$0x0], $0xffff  }
0xc6: {  	v2 =	vadd.f32 v3, v2;
	v5 =	vld [tilespmem:s17+$0x1C700]  }
0xc7: {  	v3 =	vpsel p0, v6, v7;
	v6 =	vmul.f32 v11, v10;
	v7 =	vld.idx.msk [tilespmem:v8+s2+$0x0], $0xffff  }
0xc8: {  	v2 =	vadd.f32 v3, v2;
	v8 =	vld [tilespmem:s17+$0x1CB00]  }
0xc9: {  	v6 =	vpsel p0, v6, v10;
	v4 =	vmul.f32 v4, v9;
	v3 =	vld.idx.msk [tilespmem:v1+s2+$0x0], $0xffff  }
0xca: {  	v1 =	vadd.f32 v6, v2;
	v6 =	vld [tilespmem:s17+$0x1CF00]  }
0xcb: {  	v4 =	vpsel p0, v4, v9;
	v9 =	vmul.f32 v5, v12;
	v2 =	vld.idx.msk [tilespmem:v0+s2+$0x0], $0xffff  }
.Ltmp2:
0xcc: {  	v1 =	vadd.f32 v4, v1;
	v5 =	vld [tilespmem:s17+$0x1D300];
	(pc) =	sbr.rel @p2 .LBB2_5-.Ltmp2, $4  }
0xcd: {  	s18 =	sshra.s32 s19, $0x2;
	v4 =	vpsel p0, v9, v12;
	v8 =	vmul.f32 v8, v7  }
0xce: {  	v0 =	vld [tilespmem:s18+$0x1AB00];
	v9 =	vadd.f32 v4, v1  }
0xcf: {  	v1 =	vld [tilespmem:s18+$0x1A700];
	v8 =	vpsel p0, v8, v7;
	v7 =	vmul.f32 v6, v3  }
0xd0: {  	s19 =	sadd.s32 $0x40, s19;
	v4 =	vld [tilespmem:s18+$0x18700];
	v6 =	vadd.f32 v8, v9  }
0xd1: {  	v8 =	vld [tilespmem:s17+$0x1D700];
	v3 =	vpsel p0, v7, v3;
	v5 =	vmul.f32 v5, v2  }
0xd2: {  	v43 =	vld [tilespmem:s18+$0x1A300];
	v3 =	vadd.f32 v3, v6  }
0xd3: {  	v44 =	vld [tilespmem:s18+$0x18B00];
	v2 =	vpsel p0, v5, v2  }
0xd4: {  	v45 =	vld [tilespmem:s18+$0x19F00];
	v2 =	vadd.f32 v2, v3  }
0xd5: {  	v46 =	vld [tilespmem:s18+$0x18F00]  }
0xd6: {  	v9 =	vld [tilespmem:s18+$0x19B00];
	v2 =	vadd.f32 v8, v2  }
0xd7: {  	v47 =	vld [tilespmem:s18+$0x19300]  }
0xd8: {  	v10 =	vld [tilespmem:s18+$0x19700];
	[tilespmem:s17+$0x1D700] =	vst v2  }
0xd9: {  	v2 =	vld.idx.msk [tilespmem:v4+s2+$0x0], $0xffff  }
0xda: {  	v48 =	vld [tilespmem:s18+$0x1AF00]  }
0xdb: {  	v6 =	vld.idx.msk [tilespmem:v44+s2+$0x0], $0xffff  }
0xdc: {  	v11 =	vld [tilespmem:s18+$0x1B300]  }
0xdd: {  	v3 =	vld.idx.msk [tilespmem:v46+s2+$0x0], $0xffff  }
0xde: {  	v12 =	vld [tilespmem:s18+$0x1B700]  }
0xdf: {  	v8 =	vld.idx.msk [tilespmem:v47+s2+$0x0], $0xffff;
	v4 =	vmul.f32 v48, v2  }
0xe0: {  	v13 =	vld [tilespmem:s18+$0x1BB00]  }
0xe1: {  	v10 =	vld.idx.msk [tilespmem:v10+s2+$0x0], $0xffff;
	v49 =	vmul.f32 v11, v6;
	v2 =	vpsel p0, v4, v2  }
0xe2: {  	v50 =	vld [tilespmem:s18+$0x1BF00];
	v2 =	vadd.f32 $0.0e+00, v2  }
0xe3: {  	v9 =	vld.idx.msk [tilespmem:v9+s2+$0x0], $0xffff;
	v51 =	vmul.f32 v12, v3;
	v4 =	vpsel p0, v49, v6  }
0xe4: {  	v52 =	vld [tilespmem:s18+$0x1C300];
	v2 =	vadd.f32 v4, v2  }
0xe5: {  	v5 =	vld.idx.msk [tilespmem:v45+s2+$0x0], $0xffff;
	v53 =	vmul.f32 v13, v8;
	v3 =	vpsel p0, v51, v3  }
0xe6: {  	v54 =	vld [tilespmem:s18+$0x1C700];
	v2 =	vadd.f32 v3, v2  }
0xe7: {  	v7 =	vld.idx.msk [tilespmem:v43+s2+$0x0], $0xffff;
	v55 =	vmul.f32 v50, v10;
	v6 =	vpsel p0, v53, v8  }
0xe8: {  	v56 =	vld [tilespmem:s18+$0x1CB00];
	v2 =	vadd.f32 v6, v2  }
0xe9: {  	v1 =	vld.idx.msk [tilespmem:v1+s2+$0x0], $0xffff;
	v8 =	vpsel p0, v55, v10;
	v4 =	vmul.f32 v52, v9  }
0xea: {  	v57 =	vld [tilespmem:s18+$0x1CF00];
	v2 =	vadd.f32 v8, v2  }
0xeb: {  	v0 =	vld.idx.msk [tilespmem:v0+s2+$0x0], $0xffff;
	v4 =	vpsel p0, v4, v9;
	v3 =	vmul.f32 v54, v5  }
0xec: {  	v58 =	vld [tilespmem:s18+$0x1D300];
	v2 =	vadd.f32 v4, v2  }
0xed: {  	v59 =	vmul.f32 v56, v7;
	v3 =	vpsel p0, v3, v5  }
0xee: {  	v2 =	vadd.f32 v3, v2  }
0xef: {  	v61 =	vmul.f32 v57, v1;
	v60 =	vpsel p0, v59, v7  }
0xf0: {  	v2 =	vadd.f32 v60, v2  }
0xf1: {  	v63 =	vld [tilespmem:s18+$0x1D700];
	v62 =	vmul.f32 v58, v0;
	v1 =	vpsel p0, v61, v1  }
0xf2: {  	v1 =	vadd.f32 v1, v2  }
0xf3: {  	v0 =	vpsel p0, v62, v0  }
0xf4: {  	v0 =	vadd.f32 v0, v1;
	_ =	sdelay $0x1  }
0xf5: {  	s16 =	sadd.s32 $0x1, s16;
	v0 =	vadd.f32 v63, v0  }
0xf6: {  	p2 =	sne.s32 s16, s9  }
.Ltmp3:
0xf7: {  	[tilespmem:s18+$0x1D700] =	vst v0;
	(pc) =	sbr.rel @p2 .LBB2_2-.Ltmp3, $4  }
0xf8: {  	[hbm4b:s7+s10] =	stream.strided.scatter [tilespmem:s15], [sflag:$0x1], $0x400, s11, s10, $0x38;
	[tilespmem:$0x1DB00] =	vst v63  }
0xf9: {  	_ =	swait.ge [sflag:s12], $0x400  }
0xfa: {  	[sflag:s12] =	ssyncset.done $0x0  }
0xfb: {  	[sflag:s12] =	ssyncadd.s32 $0xFFFFFC00  }
.LBB2_7:
0xfc: {  	_ =	sfence.sel $0x180000  }
0xfd: {  	[bflag:$0x0] =	sbarrier.arrive $0xFFFF  }
0xfe: {  	p0 =	sne.s32 s1, $0x0;
	_ =	strace $0x90000047  }
0xff: {  	s0 =	sadd.s32 @!p0 $0x100000, s0;
	[bflag:$0x2] =	sbarrier.arrive $0xFFFF  }
0x100: {  	[sflag:s0] =	ssyncadd.tile.s32 @!p0 $0x1;
	_ =	shalt  }
.Lfunc_end2:
_tile_overlayer_lowered:
.L_overlay_start_2:
0x101: {  	(tag) =	ssettag $0x2  }
0x102: {  	s0 =	rddreg [dreg:$0x0];
	s2 =	stileid.u32  }
0x103: {  	s1 =	rddreg [dreg:$0x1];
	p0 =	sne.s32 s2, $0x0  }
0x104: {  	s3 =	rddreg [dreg:$0x2];
	[bflag:$0x3] =	sbarrier.arrive $0xFFFF;
	s2 =	simm.s32 @!p0 $0x1C01  }
0x105: {  	[timem:s3], [sflag:s2] =	dma.local @!p0 [hbm:s0], s1  }
0x106: {  	s0 =	simm.s32 @!p0 $0x1  }
0x107: {  	_ =	swait.ge @!p0 [sflag:s0], s1  }
0x108: {  	s1 =	ssub.s32 @!p0 $0x0, s1;
	[sflag:s0] =	ssyncset.done @!p0 $0x0  }
0x109: {  	[sflag:s0] =	ssyncadd.s32 @!p0 s1  }
0x10a: {  	[bflag:$0x3] =	sbarrier.arrive $0xFFFF  }
0x10b: {  	_ =	shalt  }

</sc_bundles>
